<compile_context>
chip_gen: v7x
topology: tpu7x:2x2x1
jax: 0.10.2.dev20260603
libtpu: 0.0.44.dev20260713+nightly
codegen_flags: <defaults>
</compile_context>

<pallas_src>
import functools

import jax
import jax.numpy as jnp
from jax import lax
from jax.experimental import pallas as pl
from jax.experimental.pallas import tpu as pltpu
from jax.experimental.pallas import tpu_sc as plsc

_BS, _P1, _C1 = 16, 4096, 128
_P2, _K = 1024, 32
_M1, _M2, _M3 = 128, 128, 256
_EPS = 1e-5
_NC, _NS = 2, 16
_NW = _NC * _NS
_TB = 256
_NR = _BS * _P2 * _K
_NQ = _BS * _P2
_TQ = 512


def _prep_body(xyz_ref, feat_ref, w1f_ref, w1x_ref, b1_ref, g_ref, tb_ref):
    xyz = xyz_ref[0]
    feat = feat_ref[0]
    p = lax.dot_general(xyz, w1x_ref[...], (((1,), (0,)), ((), ())),
                        preferred_element_type=jnp.float32)
    g = lax.dot_general(feat, w1f_ref[...], (((1,), (0,)), ((), ())),
                        preferred_element_type=jnp.float32)
    g_ref[0] = g + p + b1_ref[...]
    tb_ref[0] = jnp.concatenate(
        [p, xyz, jnp.zeros((_P1, _TB - _C1 - 3), jnp.float32)], axis=1)


def _prep(input_xyz, input_feature, w1f, w1x, b1):
    return pl.pallas_call(
        _prep_body,
        grid=(_BS,),
        in_specs=[
            pl.BlockSpec((1, _P1, 3), lambda b: (b, 0, 0)),
            pl.BlockSpec((1, _P1, _C1), lambda b: (b, 0, 0)),
            pl.BlockSpec((_C1, _M1), lambda b: (0, 0)),
            pl.BlockSpec((3, _M1), lambda b: (0, 0)),
            pl.BlockSpec((1, _M1), lambda b: (0, 0)),
        ],
        out_specs=[
            pl.BlockSpec((1, _P1, _M1), lambda b: (b, 0, 0)),
            pl.BlockSpec((1, _P1, _TB), lambda b: (b, 0, 0)),
        ],
        out_shape=[
            jax.ShapeDtypeStruct((_BS, _P1, _M1), jnp.float32),
            jax.ShapeDtypeStruct((_BS, _P1, _TB), jnp.float32),
        ],
    )(input_xyz, input_feature, w1f, w1x, b1)


def _sc_gather(table, idx, chunk):
    B = idx.shape[0]
    D = table.shape[1]
    rpw = B // _NW
    nchunk = rpw // chunk
    mesh = plsc.VectorSubcoreMesh(core_axis_name="c", subcore_axis_name="s",
                                  num_cores=_NC, num_subcores=_NS)

    @functools.partial(
        pl.kernel,
        out_type=jax.ShapeDtypeStruct((B, D), jnp.float32),
        mesh=mesh,
        scratch_types=[
            pltpu.VMEM((rpw,), jnp.int32),
            pltpu.VMEM((chunk, D), jnp.float32),
            pltpu.SemaphoreType.DMA,
        ],
    )
    def k(table_hbm, idx_hbm, out_hbm, idx_v, rows_v, sem):
        wid = lax.axis_index("s") * _NC + lax.axis_index("c")
        base = wid * rpw
        pltpu.sync_copy(idx_hbm.at[pl.ds(base, rpw)], idx_v)

        def body(c, carry):
            pltpu.async_copy(table_hbm.at[idx_v.at[pl.ds(c * chunk, chunk)]],
                             rows_v, sem).wait()
            pltpu.sync_copy(rows_v, out_hbm.at[pl.ds(base + c * chunk, chunk)])
            return carry

        lax.fori_loop(0, nchunk, body, 0)

    return k(table, idx)


def _topk_body(nxyz_ref, xyz_ref, nn_ref, d_ref):
    nx = nxyz_ref[0]
    x = xyz_ref[0]
    m = lax.dot_general(nx, x, (((1,), (1,)), ((), ())),
                        preferred_element_type=jnp.float32)
    ra = jnp.sum(nx * nx, axis=1, keepdims=True)
    rb = jnp.sum(x * x, axis=1)
    d_ref[...] = ra - 2.0 * m + rb[None, :]
    lane = lax.broadcasted_iota(jnp.int32, (_TQ, _P1), 1).astype(jnp.float32)
    col = lax.broadcasted_iota(jnp.int32, (_TQ, _K), 1)

    def body(i, nn):
        d = d_ref[...]
        v = jnp.min(d, axis=1, keepdims=True)
        idx = jnp.min(jnp.where(d == v, lane, jnp.float32(_P1)), axis=1,
                      keepdims=True)
        nn = jnp.where(col == i, idx.astype(jnp.int32), nn)
        d_ref[...] = jnp.where(lane == idx, jnp.inf, d)
        return nn

    nn_ref[0] = lax.fori_loop(0, _K, body,
                              jnp.zeros((_TQ, _K), jnp.int32), unroll=4)


def _topk(new_xyz, input_xyz):
    return pl.pallas_call(
        _topk_body,
        grid=(new_xyz.shape[0], _P2 // _TQ),
        in_specs=[
            pl.BlockSpec((1, _TQ, 3), lambda b, q: (b, q, 0)),
            pl.BlockSpec((1, _P1, 3), lambda b, q: (b, 0, 0)),
        ],
        out_specs=pl.BlockSpec((1, _TQ, _K), lambda b, q: (b, q, 0)),
        out_shape=jax.ShapeDtypeStruct((new_xyz.shape[0], _P2, _K), jnp.int32),
        scratch_shapes=[pltpu.VMEM((_TQ, _P1), jnp.float32)],
    )(new_xyz, input_xyz)


_SEGS = 4
_BSS = _BS // _SEGS
_NRS = _NR // _SEGS
_NQS = _NQ // _SEGS

_TR5 = 2048


def _stats_body(xg_ref, c_ref, o_ref):
    x = xg_ref[...].reshape(_TR5 // _K, _K, _M1) - c_ref[...][:, None, :]
    x = x.reshape(_TR5, _M1)
    s = jnp.sum(x, axis=0)
    q = jnp.sum(x * x, axis=0)

    @pl.when(pl.program_id(0) == 0)
    def _():
        o_ref[...] = jnp.zeros((8, _M1), jnp.float32)

    o_ref[...] += jnp.concatenate(
        [s[None], q[None], jnp.zeros((6, _M1), jnp.float32)], axis=0)


def _stats1(xg, cmat):
    return pl.pallas_call(
        _stats_body,
        grid=(_NRS // _TR5,),
        in_specs=[
            pl.BlockSpec((_TR5, _M1), lambda i: (i, 0)),
            pl.BlockSpec((_TR5 // _K, _M1), lambda i: (i, 0)),
        ],
        out_specs=pl.BlockSpec((8, _M1), lambda i: (0, 0)),
        out_shape=jax.ShapeDtypeStruct((8, _M1), jnp.float32),
    )(xg, cmat)


def _norm_coefs(st_ref, g_ref, be_ref, n):
    mean = jnp.sum(st_ref[:, 0:1, :], axis=0) / n
    var = jnp.maximum(jnp.sum(st_ref[:, 1:2, :], axis=0) / n - mean * mean, 0.0)
    a = g_ref[...] * lax.rsqrt(var + _EPS)
    c = be_ref[...] - mean * a
    return a, c


_TR6 = 1024


def _mlp2_body(xg_ref, c_ref, st_ref, g1_ref, be1_ref, w2_ref, b2_ref,
               x2_ref, o_ref):
    a, c = _norm_coefs(st_ref, g1_ref, be1_ref, jnp.float32(_NR))
    x1 = xg_ref[...].reshape(_TR6 // _K, _K, _M1) - c_ref[...][:, None, :]
    x1 = x1.reshape(_TR6, _M1)
    h1 = jnp.maximum(x1 * a + c, 0.0)
    x2 = lax.dot_general(h1, w2_ref[...], (((1,), (0,)), ((), ())),
                         preferred_element_type=jnp.float32) + b2_ref[...]
    x2_ref[...] = x2.astype(jnp.bfloat16)
    s = jnp.sum(x2, axis=0)
    q = jnp.sum(x2 * x2, axis=0)

    @pl.when(pl.program_id(0) == 0)
    def _():
        o_ref[...] = jnp.zeros((8, _M2), jnp.float32)

    o_ref[...] += jnp.concatenate(
        [s[None], q[None], jnp.zeros((6, _M2), jnp.float32)], axis=0)


def _mlp2(xg, cmat, st1, g1, be1, w2, b2):
    return pl.pallas_call(
        _mlp2_body,
        grid=(_NRS // _TR6,),
        in_specs=[
            pl.BlockSpec((_TR6, _M1), lambda i: (i, 0)),
            pl.BlockSpec((_TR6 // _K, _M1), lambda i: (i, 0)),
            pl.BlockSpec((_SEGS, 8, _M1), lambda i: (0, 0, 0)),
            pl.BlockSpec((1, _M1), lambda i: (0, 0)),
            pl.BlockSpec((1, _M1), lambda i: (0, 0)),
            pl.BlockSpec((_M1, _M2), lambda i: (0, 0)),
            pl.BlockSpec((1, _M2), lambda i: (0, 0)),
        ],
        out_specs=[
            pl.BlockSpec((_TR6, _M2), lambda i: (i, 0)),
            pl.BlockSpec((8, _M2), lambda i: (0, 0)),
        ],
        out_shape=[
            jax.ShapeDtypeStruct((_NRS, _M2), jnp.bfloat16),
            jax.ShapeDtypeStruct((8, _M2), jnp.float32),
        ],
    )(xg, cmat, st1, g1, be1, w2, b2)


_TR7 = 1024


def _mlp3_body(x2_ref, st_ref, g2_ref, be2_ref, w3_ref, b3_ref,
               mx_ref, mn_ref, o_ref):
    a, c = _norm_coefs(st_ref, g2_ref, be2_ref, jnp.float32(_NR))
    h2 = jnp.maximum(x2_ref[...].astype(jnp.float32) * a + c, 0.0)
    x3 = lax.dot_general(h2, w3_ref[...], (((1,), (0,)), ((), ())),
                         preferred_element_type=jnp.float32) + b3_ref[...]
    s = jnp.sum(x3, axis=0)
    q = jnp.sum(x3 * x3, axis=0)
    xr = x3.reshape(_TR7 // _K, _K, _M3)
    mx_ref[...] = jnp.max(xr, axis=1)
    mn_ref[...] = jnp.min(xr, axis=1)

    @pl.when(pl.program_id(0) == 0)
    def _():
        o_ref[...] = jnp.zeros((8, _M3), jnp.float32)

    o_ref[...] += jnp.concatenate(
        [s[None], q[None], jnp.zeros((6, _M3), jnp.float32)], axis=0)


def _mlp3(x2, st2, g2, be2, w3, b3):
    return pl.pallas_call(
        _mlp3_body,
        grid=(_NRS // _TR7,),
        in_specs=[
            pl.BlockSpec((_TR7, _M2), lambda i: (i, 0)),
            pl.BlockSpec((_SEGS, 8, _M2), lambda i: (0, 0, 0)),
            pl.BlockSpec((1, _M2), lambda i: (0, 0)),
            pl.BlockSpec((1, _M2), lambda i: (0, 0)),
            pl.BlockSpec((_M2, _M3), lambda i: (0, 0)),
            pl.BlockSpec((1, _M3), lambda i: (0, 0)),
        ],
        out_specs=[
            pl.BlockSpec((_TR7 // _K, _M3), lambda i: (i, 0)),
            pl.BlockSpec((_TR7 // _K, _M3), lambda i: (i, 0)),
            pl.BlockSpec((8, _M3), lambda i: (0, 0)),
        ],
        out_shape=[
            jax.ShapeDtypeStruct((_NQS, _M3), jnp.float32),
            jax.ShapeDtypeStruct((_NQS, _M3), jnp.float32),
            jax.ShapeDtypeStruct((8, _M3), jnp.float32),
        ],
    )(x2, st2, g2, be2, w3, b3)


_TP8 = 2048


def _final_body(mx_ref, mn_ref, st_ref, g3_ref, be3_ref, out_ref):
    a, c = _norm_coefs(st_ref, g3_ref, be3_ref, jnp.float32(_NR))
    v = jnp.where(a > 0.0, mx_ref[...], mn_ref[...])
    out_ref[...] = jnp.maximum(v * a + c, 0.0)


def _final(mx, mn, st3, g3, be3):
    return pl.pallas_call(
        _final_body,
        grid=(_NQS // _TP8,),
        in_specs=[
            pl.BlockSpec((_TP8, _M3), lambda i: (i, 0)),
            pl.BlockSpec((_TP8, _M3), lambda i: (i, 0)),
            pl.BlockSpec((_SEGS, 8, _M3), lambda i: (0, 0, 0)),
            pl.BlockSpec((1, _M3), lambda i: (0, 0)),
            pl.BlockSpec((1, _M3), lambda i: (0, 0)),
        ],
        out_specs=pl.BlockSpec((_TP8, _M3), lambda i: (i, 0)),
        out_shape=jax.ShapeDtypeStruct((_NQS, _M3), jnp.float32),
    )(mx, mn, st3, g3, be3)


def kernel(input_xyz, input_feature, idx_sample,
           W1, b1, g1, be1, W2, b2, g2, be2, W3, b3, g3, be3):
    w1f, w1x = W1[:_C1], W1[_C1:]
    g_tab, s_tab = _prep(input_xyz, input_feature, w1f, w1x,
                         b1.reshape(1, _M1))

    boff = (jnp.arange(_BS, dtype=jnp.int32) * _P1)[:, None]
    flat_s = (idx_sample + boff).reshape(-1)
    rows1 = _sc_gather(s_tab.reshape(_BS * _P1, _TB), flat_s, 128)
    cmat = rows1[:, :_C1]
    new_xyz = rows1[:, _C1:_C1 + 3].reshape(_BS, _P2, 3)
    gflat = g_tab.reshape(_BS * _P1, _M1)

    nns, xgs, cms = [], [], []
    for s in range(_SEGS):
        b0 = s * _BSS
        nn_s = _topk(lax.slice_in_dim(new_xyz, b0, b0 + _BSS, axis=0),
                     lax.slice_in_dim(input_xyz, b0, b0 + _BSS, axis=0))
        fn = (nn_s + boff[b0:b0 + _BSS][:, :, None]).reshape(-1)
        nns.append(nn_s)
        xgs.append(_sc_gather(gflat, fn, 128))
        cms.append(lax.slice_in_dim(cmat, s * _NQS, (s + 1) * _NQS, axis=0))

    st1 = jnp.stack([_stats1(xgs[s], cms[s]) for s in range(_SEGS)])
    g1r, be1r = g1.reshape(1, _M1), be1.reshape(1, _M1)
    x2s, st2s = [], []
    for s in range(_SEGS):
        x2, st2 = _mlp2(xgs[s], cms[s], st1, g1r, be1r, W2, b2.reshape(1, _M2))
        x2s.append(x2)
        st2s.append(st2)
    st2 = jnp.stack(st2s)
    g2r, be2r = g2.reshape(1, _M2), be2.reshape(1, _M2)
    m3 = [_mlp3(x2s[s], st2, g2r, be2r, W3, b3.reshape(1, _M3))
          for s in range(_SEGS)]
    st3 = jnp.stack([t[2] for t in m3])
    g3r, be3r = g3.reshape(1, _M3), be3.reshape(1, _M3)
    nf = jnp.concatenate([_final(m3[s][0], m3[s][1], st3, g3r, be3r)
                          for s in range(_SEGS)], axis=0)
    return (jnp.concatenate(nns, axis=0), new_xyz,
            nf.reshape(_BS, _P2, _M3))

# --- scband reference (transcript-rebuilt; emitter-appended) ---
"""Pipeline reference for scband-sa-module-16320875725212 (READ-ONLY COPY).

The authoritative reference and input builder live on the scoring server;
editing this copy changes nothing except your own understanding.
"""

import jax, jax.numpy as jnp
import numpy as np

BS, P1, C1 = 16, 4096, 128
P2, K = 1024, 32
MLP = [128, 128, 256]
IN_DIM = C1 + 3


def setup_inputs(seed: int = 0) -> dict:
    key = jax.random.key(seed)
    ks = jax.random.split(key, 16)
    inp = {}
    inp["input_xyz"] = jax.random.normal(ks[0], (BS, P1, 3), dtype=jnp.float32)
    inp["input_feature"] = jax.random.normal(ks[1], (BS, P1, C1), dtype=jnp.float32)
    # random_sample: torch.randperm per batch -> random indices without replacement
    idx = []
    for i in range(BS):
        perm = jax.random.permutation(jax.random.fold_in(ks[2], i), P1)
        idx.append(perm[:P2])
    inp["idx_sample"] = jnp.stack(idx, axis=0).astype(jnp.int32)
    dims = [IN_DIM] + MLP
    for i in range(3):
        inp[f"W{i+1}"] = jax.random.normal(ks[3 + 4 * i], (dims[i], dims[i + 1]), dtype=jnp.float32) * 0.05
        inp[f"b{i+1}"] = jnp.zeros((dims[i + 1],), dtype=jnp.float32)
        inp[f"g{i+1}"] = jnp.ones((dims[i + 1],), dtype=jnp.float32)
        inp[f"be{i+1}"] = jnp.zeros((dims[i + 1],), dtype=jnp.float32)
    return inp


def _bn_relu(x, g, b):
    # training-mode BatchNorm1d over (batch, length) per channel, eps=1e-5
    mean = jnp.mean(x, axis=(0, 1), keepdims=True)
    var = jnp.var(x, axis=(0, 1), keepdims=True)
    xn = (x - mean) / jnp.sqrt(var + 1e-5)
    return jax.nn.relu(xn * g + b)


def reference(input_xyz, input_feature, idx_sample,
              W1, b1, g1, be1, W2, b2, g2, be2, W3, b3, g3, be3):
    # random_sample gather: new_xyz [BS,P2,3]
    new_xyz = jnp.take_along_axis(input_xyz, idx_sample[:, :, None], axis=1)
    # KNN via squared-distance matrix
    rA = jnp.sum(new_xyz * new_xyz, axis=2, keepdims=True)          # [BS,P2,1]
    rB = jnp.sum(input_xyz * input_xyz, axis=2, keepdims=True)      # [BS,P1,1]
    m = jnp.einsum('bpc,bqc->bpq', new_xyz, input_xyz)              # [BS,P2,P1]
    D = rA - 2.0 * m + jnp.transpose(rB, (0, 2, 1))
    nn_distances, nn_indices = jax.lax.top_k(-D, K)                 # [BS,P2,K]
    flat = nn_indices.reshape(BS, P2 * K)
    knn_xyz = jnp.take_along_axis(input_xyz, flat[:, :, None], axis=1).reshape(BS, P2, K, 3)
    knn_xyz = knn_xyz - new_xyz[:, :, None, :]
    grouped_feature = jnp.take_along_axis(input_feature, flat[:, :, None], axis=1).reshape(BS, P2, K, C1)
    grouped_feature = jnp.concatenate([grouped_feature, knn_xyz], axis=3)
    h = grouped_feature.reshape(BS, P2 * K, IN_DIM)
    h = _bn_relu(h @ W1 + b1, g1, be1)
    h = _bn_relu(h @ W2 + b2, g2, be2)
    h = _bn_relu(h @ W3 + b3, g3, be3)
    h = h.reshape(BS, P2, K, MLP[2])
    new_feature = jnp.max(h, axis=2)                                 # max-pool over K
    return (nn_indices, new_xyz, new_feature)

if __name__ == "__main__":
    import jax
    _d = setup_inputs()
    print(jax.jit(kernel)(*tuple(_d.values())))

</pallas_src>

<mosaic_0001>
#map = affine_map<(d0, d1) -> (0, 0)>
#map1 = affine_map<(d0, d1) -> (0)>
module attributes {stable_mosaic.version = 14 : i64} {
  func.func @k(%arg0: i32, %arg1: i32, %arg2: memref<65536x128xf32, #tpu.memory_space<hbm>>, %arg3: memref<131072xi32, #tpu.memory_space<hbm>>, %arg4: memref<131072x128xf32, #tpu.memory_space<hbm>>, %arg5: memref<4096xi32, #tpu.memory_space<vmem>>, %arg6: memref<128x128xf32, #tpu.memory_space<vmem>>, %arg7: memref<!tpu.dma_semaphore, #tpu.memory_space<semaphore_mem>>) attributes {dimension_semantics = [#tpu.dimension_semantics<core_parallel>, #tpu.dimension_semantics<subcore_parallel>], iteration_bounds = array<i64: 2, 16>, scalar_prefetch = 0 : i64, scratch_operands = 3 : i64, tpu.core_type = #tpu.core_type<sc_vector_subcore>, window_params = [{transform_indices = #map}, {transform_indices = #map1}, {transform_indices = #map}]} {
    %mul3A = arith.constant 2 : i32
    %mul3A_0 = arith.muli %arg1, %mul3A : i32
    %add3A = arith.addi %mul3A_0, %arg0 : i32
    %mul3A_1 = arith.constant 4096 : i32
    %mul3A_2 = arith.muli %add3A, %mul3A_1 : i32
    "tpu.region"() ({
      %run_scoped3A = tpu.sem_alloc : memref<!tpu.dma_semaphore, #tpu.memory_space<semaphore_mem>>
      %dma_start3A = tpu.memref_slice %arg3[%mul3A_2] : memref<131072xi32, #tpu.memory_space<hbm>> -> memref<4096xi32, #tpu.memory_space<hbm>>
      %dma_start3A_8 = tpu.memref_slice %arg3[%mul3A_2] : memref<131072xi32, #tpu.memory_space<hbm>> -> memref<4096xi32, #tpu.memory_space<hbm>>
      tpu.enqueue_dma source(%dma_start3A_8 : memref<4096xi32, #tpu.memory_space<hbm>>) target(%arg5 : memref<4096xi32, #tpu.memory_space<vmem>>) target_semaphore(%run_scoped3A : memref<!tpu.dma_semaphore, #tpu.memory_space<semaphore_mem>>)
      %dma_wait3A = tpu.memref_slice %arg3[%mul3A_2] : memref<131072xi32, #tpu.memory_space<hbm>> -> memref<4096xi32, #tpu.memory_space<hbm>>
      %dma_wait3A_9 = tpu.memref_slice %arg3[%mul3A_2] : memref<131072xi32, #tpu.memory_space<hbm>> -> memref<4096xi32, #tpu.memory_space<hbm>>
      tpu.wait_dma2 semaphore(%run_scoped3A : memref<!tpu.dma_semaphore, #tpu.memory_space<semaphore_mem>>) src(%dma_wait3A_9 : memref<4096xi32, #tpu.memory_space<hbm>>) dst(%arg5 : memref<4096xi32, #tpu.memory_space<vmem>>)
      tpu.yield
    }) : () -> ()
    %scan3A = arith.constant 0 : i32
    %scan3A_3 = arith.constant 0 : i32
    %scan3A_4 = arith.constant 32 : i32
    %scan3A_5 = arith.addi %scan3A_3, %scan3A_4 : i32
    %scan3A_6 = arith.constant 1 : i32
    scf.for %scan3A_8 = %scan3A_3 to %scan3A_5 step %scan3A_6  : i32 {
      %mul3A_9 = arith.constant 128 : i32
      %mul3A_10 = arith.muli %scan3A_8, %mul3A_9 : i32
      %dma_start3A = tpu.memref_slice %arg5[%mul3A_10] : memref<4096xi32, #tpu.memory_space<vmem>> -> memref<128xi32, #tpu.memory_space<vmem>>
      %dma_start3A_11 = arith.constant 0 : i32
      %dma_start3A_12 = arith.constant 0 : i32
      %dma_start3A_13 = tpu.memref_slice %arg2[%dma_start3A_11, %dma_start3A_12] : memref<65536x128xf32, #tpu.memory_space<hbm>> -> memref<65536x128xf32, #tpu.memory_space<hbm>>
      tpu.enqueue_indirect_dma source(%dma_start3A_13 : memref<65536x128xf32, #tpu.memory_space<hbm>>) target(%arg6 : memref<128x128xf32, #tpu.memory_space<vmem>>) offsets(%dma_start3A : memref<128xi32, #tpu.memory_space<vmem>>) semaphore(%arg7 : memref<!tpu.dma_semaphore, #tpu.memory_space<semaphore_mem>>)
      %dma_wait3A = tpu.memref_slice %arg5[%mul3A_10] : memref<4096xi32, #tpu.memory_space<vmem>> -> memref<128xi32, #tpu.memory_space<vmem>>
      %dma_wait3A_14 = arith.constant 0 : i32
      %dma_wait3A_15 = arith.constant 0 : i32
      %dma_wait3A_16 = tpu.memref_slice %arg2[%dma_wait3A_14, %dma_wait3A_15] : memref<65536x128xf32, #tpu.memory_space<hbm>> -> memref<65536x128xf32, #tpu.memory_space<hbm>>
      tpu.wait_indirect_dma semaphore(%arg7 : memref<!tpu.dma_semaphore, #tpu.memory_space<semaphore_mem>>) src(%dma_wait3A_16 : memref<65536x128xf32, #tpu.memory_space<hbm>>) dst(%arg6 : memref<128x128xf32, #tpu.memory_space<vmem>>)
      %mul3A_17 = arith.constant 128 : i32
      %mul3A_18 = arith.muli %scan3A_8, %mul3A_17 : i32
      %add3A_19 = arith.addi %mul3A_2, %mul3A_18 : i32
      "tpu.region"() ({
        %run_scoped3A = tpu.sem_alloc : memref<!tpu.dma_semaphore, #tpu.memory_space<semaphore_mem>>
        %dma_start3A_20 = arith.constant 0 : i32
        %dma_start3A_21 = tpu.memref_slice %arg4[%add3A_19, %dma_start3A_20] : memref<131072x128xf32, #tpu.memory_space<hbm>> -> memref<128x128xf32, #tpu.memory_space<hbm>>
        %dma_start3A_22 = arith.constant 0 : i32
        %dma_start3A_23 = tpu.memref_slice %arg4[%add3A_19, %dma_start3A_22] : memref<131072x128xf32, #tpu.memory_space<hbm>> -> memref<128x128xf32, #tpu.memory_space<hbm>>
        tpu.enqueue_dma source(%arg6 : memref<128x128xf32, #tpu.memory_space<vmem>>) target(%dma_start3A_23 : memref<128x128xf32, #tpu.memory_space<hbm>>) target_semaphore(%run_scoped3A : memref<!tpu.dma_semaphore, #tpu.memory_space<semaphore_mem>>)
        %dma_wait3A_24 = arith.constant 0 : i32
        %dma_wait3A_25 = tpu.memref_slice %arg4[%add3A_19, %dma_wait3A_24] : memref<131072x128xf32, #tpu.memory_space<hbm>> -> memref<128x128xf32, #tpu.memory_space<hbm>>
        %dma_wait3A_26 = arith.constant 0 : i32
        %dma_wait3A_27 = tpu.memref_slice %arg4[%add3A_19, %dma_wait3A_26] : memref<131072x128xf32, #tpu.memory_space<hbm>> -> memref<128x128xf32, #tpu.memory_space<hbm>>
        tpu.wait_dma2 semaphore(%run_scoped3A : memref<!tpu.dma_semaphore, #tpu.memory_space<semaphore_mem>>) src(%arg6 : memref<128x128xf32, #tpu.memory_space<vmem>>) dst(%dma_wait3A_27 : memref<128x128xf32, #tpu.memory_space<hbm>>)
        tpu.yield
      }) : () -> ()
    }
    %scan3A_7 = arith.constant 32 : i32
    return
  }
}

#map = affine_map<(d0, d1) -> (0, 0)>
#map1 = affine_map<(d0, d1) -> (0)>
module attributes {stable_mosaic.version = 14 : i64} {
  func.func @k(%arg0: i32, %arg1: i32, %arg2: memref<65536x256xf32, #tpu.memory_space<hbm>>, %arg3: memref<16384xi32, #tpu.memory_space<hbm>>, %arg4: memref<16384x256xf32, #tpu.memory_space<hbm>>, %arg5: memref<512xi32, #tpu.memory_space<vmem>>, %arg6: memref<128x256xf32, #tpu.memory_space<vmem>>, %arg7: memref<!tpu.dma_semaphore, #tpu.memory_space<semaphore_mem>>) attributes {dimension_semantics = [#tpu.dimension_semantics<core_parallel>, #tpu.dimension_semantics<subcore_parallel>], iteration_bounds = array<i64: 2, 16>, scalar_prefetch = 0 : i64, scratch_operands = 3 : i64, tpu.core_type = #tpu.core_type<sc_vector_subcore>, window_params = [{transform_indices = #map}, {transform_indices = #map1}, {transform_indices = #map}]} {
    %mul3A = arith.constant 2 : i32
    %mul3A_0 = arith.muli %arg1, %mul3A : i32
    %add3A = arith.addi %mul3A_0, %arg0 : i32
    %mul3A_1 = arith.constant 512 : i32
    %mul3A_2 = arith.muli %add3A, %mul3A_1 : i32
    "tpu.region"() ({
      %run_scoped3A = tpu.sem_alloc : memref<!tpu.dma_semaphore, #tpu.memory_space<semaphore_mem>>
      %dma_start3A = tpu.memref_slice %arg3[%mul3A_2] : memref<16384xi32, #tpu.memory_space<hbm>> -> memref<512xi32, #tpu.memory_space<hbm>>
      %dma_start3A_8 = tpu.memref_slice %arg3[%mul3A_2] : memref<16384xi32, #tpu.memory_space<hbm>> -> memref<512xi32, #tpu.memory_space<hbm>>
      tpu.enqueue_dma source(%dma_start3A_8 : memref<512xi32, #tpu.memory_space<hbm>>) target(%arg5 : memref<512xi32, #tpu.memory_space<vmem>>) target_semaphore(%run_scoped3A : memref<!tpu.dma_semaphore, #tpu.memory_space<semaphore_mem>>)
      %dma_wait3A = tpu.memref_slice %arg3[%mul3A_2] : memref<16384xi32, #tpu.memory_space<hbm>> -> memref<512xi32, #tpu.memory_space<hbm>>
      %dma_wait3A_9 = tpu.memref_slice %arg3[%mul3A_2] : memref<16384xi32, #tpu.memory_space<hbm>> -> memref<512xi32, #tpu.memory_space<hbm>>
      tpu.wait_dma2 semaphore(%run_scoped3A : memref<!tpu.dma_semaphore, #tpu.memory_space<semaphore_mem>>) src(%dma_wait3A_9 : memref<512xi32, #tpu.memory_space<hbm>>) dst(%arg5 : memref<512xi32, #tpu.memory_space<vmem>>)
      tpu.yield
    }) : () -> ()
    %scan3A = arith.constant 0 : i32
    %scan3A_3 = arith.constant 0 : i32
    %scan3A_4 = arith.constant 4 : i32
    %scan3A_5 = arith.addi %scan3A_3, %scan3A_4 : i32
    %scan3A_6 = arith.constant 1 : i32
    scf.for %scan3A_8 = %scan3A_3 to %scan3A_5 step %scan3A_6  : i32 {
      %mul3A_9 = arith.constant 128 : i32
      %mul3A_10 = arith.muli %scan3A_8, %mul3A_9 : i32
      %dma_start3A = tpu.memref_slice %arg5[%mul3A_10] : memref<512xi32, #tpu.memory_space<vmem>> -> memref<128xi32, #tpu.memory_space<vmem>>
      %dma_start3A_11 = arith.constant 0 : i32
      %dma_start3A_12 = arith.constant 0 : i32
      %dma_start3A_13 = tpu.memref_slice %arg2[%dma_start3A_11, %dma_start3A_12] : memref<65536x256xf32, #tpu.memory_space<hbm>> -> memref<65536x256xf32, #tpu.memory_space<hbm>>
      tpu.enqueue_indirect_dma source(%dma_start3A_13 : memref<65536x256xf32, #tpu.memory_space<hbm>>) target(%arg6 : memref<128x256xf32, #tpu.memory_space<vmem>>) offsets(%dma_start3A : memref<128xi32, #tpu.memory_space<vmem>>) semaphore(%arg7 : memref<!tpu.dma_semaphore, #tpu.memory_space<semaphore_mem>>)
      %dma_wait3A = tpu.memref_slice %arg5[%mul3A_10] : memref<512xi32, #tpu.memory_space<vmem>> -> memref<128xi32, #tpu.memory_space<vmem>>
      %dma_wait3A_14 = arith.constant 0 : i32
      %dma_wait3A_15 = arith.constant 0 : i32
      %dma_wait3A_16 = tpu.memref_slice %arg2[%dma_wait3A_14, %dma_wait3A_15] : memref<65536x256xf32, #tpu.memory_space<hbm>> -> memref<65536x256xf32, #tpu.memory_space<hbm>>
      tpu.wait_indirect_dma semaphore(%arg7 : memref<!tpu.dma_semaphore, #tpu.memory_space<semaphore_mem>>) src(%dma_wait3A_16 : memref<65536x256xf32, #tpu.memory_space<hbm>>) dst(%arg6 : memref<128x256xf32, #tpu.memory_space<vmem>>)
      %mul3A_17 = arith.constant 128 : i32
      %mul3A_18 = arith.muli %scan3A_8, %mul3A_17 : i32
      %add3A_19 = arith.addi %mul3A_2, %mul3A_18 : i32
      "tpu.region"() ({
        %run_scoped3A = tpu.sem_alloc : memref<!tpu.dma_semaphore, #tpu.memory_space<semaphore_mem>>
        %dma_start3A_20 = arith.constant 0 : i32
        %dma_start3A_21 = tpu.memref_slice %arg4[%add3A_19, %dma_start3A_20] : memref<16384x256xf32, #tpu.memory_space<hbm>> -> memref<128x256xf32, #tpu.memory_space<hbm>>
        %dma_start3A_22 = arith.constant 0 : i32
        %dma_start3A_23 = tpu.memref_slice %arg4[%add3A_19, %dma_start3A_22] : memref<16384x256xf32, #tpu.memory_space<hbm>> -> memref<128x256xf32, #tpu.memory_space<hbm>>
        tpu.enqueue_dma source(%arg6 : memref<128x256xf32, #tpu.memory_space<vmem>>) target(%dma_start3A_23 : memref<128x256xf32, #tpu.memory_space<hbm>>) target_semaphore(%run_scoped3A : memref<!tpu.dma_semaphore, #tpu.memory_space<semaphore_mem>>)
        %dma_wait3A_24 = arith.constant 0 : i32
        %dma_wait3A_25 = tpu.memref_slice %arg4[%add3A_19, %dma_wait3A_24] : memref<16384x256xf32, #tpu.memory_space<hbm>> -> memref<128x256xf32, #tpu.memory_space<hbm>>
        %dma_wait3A_26 = arith.constant 0 : i32
        %dma_wait3A_27 = tpu.memref_slice %arg4[%add3A_19, %dma_wait3A_26] : memref<16384x256xf32, #tpu.memory_space<hbm>> -> memref<128x256xf32, #tpu.memory_space<hbm>>
        tpu.wait_dma2 semaphore(%run_scoped3A : memref<!tpu.dma_semaphore, #tpu.memory_space<semaphore_mem>>) src(%arg6 : memref<128x256xf32, #tpu.memory_space<vmem>>) dst(%dma_wait3A_27 : memref<128x256xf32, #tpu.memory_space<hbm>>)
        tpu.yield
      }) : () -> ()
    }
    %scan3A_7 = arith.constant 4 : i32
    return
  }
}

#map = affine_map<(d0, d1) -> (0, 0)>
#map1 = affine_map<(d0, d1) -> (0)>
module attributes {stable_mosaic.version = 14 : i64} {
  func.func @k(%arg0: i32, %arg1: i32, %arg2: memref<65536x128xf32, #tpu.memory_space<hbm>>, %arg3: memref<131072xi32, #tpu.memory_space<hbm>>, %arg4: memref<131072x128xf32, #tpu.memory_space<hbm>>, %arg5: memref<4096xi32, #tpu.memory_space<vmem>>, %arg6: memref<128x128xf32, #tpu.memory_space<vmem>>, %arg7: memref<!tpu.dma_semaphore, #tpu.memory_space<semaphore_mem>>) attributes {dimension_semantics = [#tpu.dimension_semantics<core_parallel>, #tpu.dimension_semantics<subcore_parallel>], iteration_bounds = array<i64: 2, 16>, scalar_prefetch = 0 : i64, scratch_operands = 3 : i64, tpu.core_type = #tpu.core_type<sc_vector_subcore>, window_params = [{transform_indices = #map}, {transform_indices = #map1}, {transform_indices = #map}]} {
    %mul3A = arith.constant 2 : i32
    %mul3A_0 = arith.muli %arg1, %mul3A : i32
    %add3A = arith.addi %mul3A_0, %arg0 : i32
    %mul3A_1 = arith.constant 4096 : i32
    %mul3A_2 = arith.muli %add3A, %mul3A_1 : i32
    "tpu.region"() ({
      %run_scoped3A = tpu.sem_alloc : memref<!tpu.dma_semaphore, #tpu.memory_space<semaphore_mem>>
      %dma_start3A = tpu.memref_slice %arg3[%mul3A_2] : memref<131072xi32, #tpu.memory_space<hbm>> -> memref<4096xi32, #tpu.memory_space<hbm>>
      %dma_start3A_8 = tpu.memref_slice %arg3[%mul3A_2] : memref<131072xi32, #tpu.memory_space<hbm>> -> memref<4096xi32, #tpu.memory_space<hbm>>
      tpu.enqueue_dma source(%dma_start3A_8 : memref<4096xi32, #tpu.memory_space<hbm>>) target(%arg5 : memref<4096xi32, #tpu.memory_space<vmem>>) target_semaphore(%run_scoped3A : memref<!tpu.dma_semaphore, #tpu.memory_space<semaphore_mem>>)
      %dma_wait3A = tpu.memref_slice %arg3[%mul3A_2] : memref<131072xi32, #tpu.memory_space<hbm>> -> memref<4096xi32, #tpu.memory_space<hbm>>
      %dma_wait3A_9 = tpu.memref_slice %arg3[%mul3A_2] : memref<131072xi32, #tpu.memory_space<hbm>> -> memref<4096xi32, #tpu.memory_space<hbm>>
      tpu.wait_dma2 semaphore(%run_scoped3A : memref<!tpu.dma_semaphore, #tpu.memory_space<semaphore_mem>>) src(%dma_wait3A_9 : memref<4096xi32, #tpu.memory_space<hbm>>) dst(%arg5 : memref<4096xi32, #tpu.memory_space<vmem>>)
      tpu.yield
    }) : () -> ()
    %scan3A = arith.constant 0 : i32
    %scan3A_3 = arith.constant 0 : i32
    %scan3A_4 = arith.constant 32 : i32
    %scan3A_5 = arith.addi %scan3A_3, %scan3A_4 : i32
    %scan3A_6 = arith.constant 1 : i32
    scf.for %scan3A_8 = %scan3A_3 to %scan3A_5 step %scan3A_6  : i32 {
      %mul3A_9 = arith.constant 128 : i32
      %mul3A_10 = arith.muli %scan3A_8, %mul3A_9 : i32
      %dma_start3A = tpu.memref_slice %arg5[%mul3A_10] : memref<4096xi32, #tpu.memory_space<vmem>> -> memref<128xi32, #tpu.memory_space<vmem>>
      %dma_start3A_11 = arith.constant 0 : i32
      %dma_start3A_12 = arith.constant 0 : i32
      %dma_start3A_13 = tpu.memref_slice %arg2[%dma_start3A_11, %dma_start3A_12] : memref<65536x128xf32, #tpu.memory_space<hbm>> -> memref<65536x128xf32, #tpu.memory_space<hbm>>
      tpu.enqueue_indirect_dma source(%dma_start3A_13 : memref<65536x128xf32, #tpu.memory_space<hbm>>) target(%arg6 : memref<128x128xf32, #tpu.memory_space<vmem>>) offsets(%dma_start3A : memref<128xi32, #tpu.memory_space<vmem>>) semaphore(%arg7 : memref<!tpu.dma_semaphore, #tpu.memory_space<semaphore_mem>>)
      %dma_wait3A = tpu.memref_slice %arg5[%mul3A_10] : memref<4096xi32, #tpu.memory_space<vmem>> -> memref<128xi32, #tpu.memory_space<vmem>>
      %dma_wait3A_14 = arith.constant 0 : i32
      %dma_wait3A_15 = arith.constant 0 : i32
      %dma_wait3A_16 = tpu.memref_slice %arg2[%dma_wait3A_14, %dma_wait3A_15] : memref<65536x128xf32, #tpu.memory_space<hbm>> -> memref<65536x128xf32, #tpu.memory_space<hbm>>
      tpu.wait_indirect_dma semaphore(%arg7 : memref<!tpu.dma_semaphore, #tpu.memory_space<semaphore_mem>>) src(%dma_wait3A_16 : memref<65536x128xf32, #tpu.memory_space<hbm>>) dst(%arg6 : memref<128x128xf32, #tpu.memory_space<vmem>>)
      %mul3A_17 = arith.constant 128 : i32
      %mul3A_18 = arith.muli %scan3A_8, %mul3A_17 : i32
      %add3A_19 = arith.addi %mul3A_2, %mul3A_18 : i32
      "tpu.region"() ({
        %run_scoped3A = tpu.sem_alloc : memref<!tpu.dma_semaphore, #tpu.memory_space<semaphore_mem>>
        %dma_start3A_20 = arith.constant 0 : i32
        %dma_start3A_21 = tpu.memref_slice %arg4[%add3A_19, %dma_start3A_20] : memref<131072x128xf32, #tpu.memory_space<hbm>> -> memref<128x128xf32, #tpu.memory_space<hbm>>
        %dma_start3A_22 = arith.constant 0 : i32
        %dma_start3A_23 = tpu.memref_slice %arg4[%add3A_19, %dma_start3A_22] : memref<131072x128xf32, #tpu.memory_space<hbm>> -> memref<128x128xf32, #tpu.memory_space<hbm>>
        tpu.enqueue_dma source(%arg6 : memref<128x128xf32, #tpu.memory_space<vmem>>) target(%dma_start3A_23 : memref<128x128xf32, #tpu.memory_space<hbm>>) target_semaphore(%run_scoped3A : memref<!tpu.dma_semaphore, #tpu.memory_space<semaphore_mem>>)
        %dma_wait3A_24 = arith.constant 0 : i32
        %dma_wait3A_25 = tpu.memref_slice %arg4[%add3A_19, %dma_wait3A_24] : memref<131072x128xf32, #tpu.memory_space<hbm>> -> memref<128x128xf32, #tpu.memory_space<hbm>>
        %dma_wait3A_26 = arith.constant 0 : i32
        %dma_wait3A_27 = tpu.memref_slice %arg4[%add3A_19, %dma_wait3A_26] : memref<131072x128xf32, #tpu.memory_space<hbm>> -> memref<128x128xf32, #tpu.memory_space<hbm>>
        tpu.wait_dma2 semaphore(%run_scoped3A : memref<!tpu.dma_semaphore, #tpu.memory_space<semaphore_mem>>) src(%arg6 : memref<128x128xf32, #tpu.memory_space<vmem>>) dst(%dma_wait3A_27 : memref<128x128xf32, #tpu.memory_space<hbm>>)
        tpu.yield
      }) : () -> ()
    }
    %scan3A_7 = arith.constant 32 : i32
    return
  }
}

#map = affine_map<(d0, d1) -> (0, 0)>
#map1 = affine_map<(d0, d1) -> (0)>
module attributes {stable_mosaic.version = 14 : i64} {
  func.func @k(%arg0: i32, %arg1: i32, %arg2: memref<65536x128xf32, #tpu.memory_space<hbm>>, %arg3: memref<131072xi32, #tpu.memory_space<hbm>>, %arg4: memref<131072x128xf32, #tpu.memory_space<hbm>>, %arg5: memref<4096xi32, #tpu.memory_space<vmem>>, %arg6: memref<128x128xf32, #tpu.memory_space<vmem>>, %arg7: memref<!tpu.dma_semaphore, #tpu.memory_space<semaphore_mem>>) attributes {dimension_semantics = [#tpu.dimension_semantics<core_parallel>, #tpu.dimension_semantics<subcore_parallel>], iteration_bounds = array<i64: 2, 16>, scalar_prefetch = 0 : i64, scratch_operands = 3 : i64, tpu.core_type = #tpu.core_type<sc_vector_subcore>, window_params = [{transform_indices = #map}, {transform_indices = #map1}, {transform_indices = #map}]} {
    %mul3A = arith.constant 2 : i32
    %mul3A_0 = arith.muli %arg1, %mul3A : i32
    %add3A = arith.addi %mul3A_0, %arg0 : i32
    %mul3A_1 = arith.constant 4096 : i32
    %mul3A_2 = arith.muli %add3A, %mul3A_1 : i32
    "tpu.region"() ({
      %run_scoped3A = tpu.sem_alloc : memref<!tpu.dma_semaphore, #tpu.memory_space<semaphore_mem>>
      %dma_start3A = tpu.memref_slice %arg3[%mul3A_2] : memref<131072xi32, #tpu.memory_space<hbm>> -> memref<4096xi32, #tpu.memory_space<hbm>>
      %dma_start3A_8 = tpu.memref_slice %arg3[%mul3A_2] : memref<131072xi32, #tpu.memory_space<hbm>> -> memref<4096xi32, #tpu.memory_space<hbm>>
      tpu.enqueue_dma source(%dma_start3A_8 : memref<4096xi32, #tpu.memory_space<hbm>>) target(%arg5 : memref<4096xi32, #tpu.memory_space<vmem>>) target_semaphore(%run_scoped3A : memref<!tpu.dma_semaphore, #tpu.memory_space<semaphore_mem>>)
      %dma_wait3A = tpu.memref_slice %arg3[%mul3A_2] : memref<131072xi32, #tpu.memory_space<hbm>> -> memref<4096xi32, #tpu.memory_space<hbm>>
      %dma_wait3A_9 = tpu.memref_slice %arg3[%mul3A_2] : memref<131072xi32, #tpu.memory_space<hbm>> -> memref<4096xi32, #tpu.memory_space<hbm>>
      tpu.wait_dma2 semaphore(%run_scoped3A : memref<!tpu.dma_semaphore, #tpu.memory_space<semaphore_mem>>) src(%dma_wait3A_9 : memref<4096xi32, #tpu.memory_space<hbm>>) dst(%arg5 : memref<4096xi32, #tpu.memory_space<vmem>>)
      tpu.yield
    }) : () -> ()
    %scan3A = arith.constant 0 : i32
    %scan3A_3 = arith.constant 0 : i32
    %scan3A_4 = arith.constant 32 : i32
    %scan3A_5 = arith.addi %scan3A_3, %scan3A_4 : i32
    %scan3A_6 = arith.constant 1 : i32
    scf.for %scan3A_8 = %scan3A_3 to %scan3A_5 step %scan3A_6  : i32 {
      %mul3A_9 = arith.constant 128 : i32
      %mul3A_10 = arith.muli %scan3A_8, %mul3A_9 : i32
      %dma_start3A = tpu.memref_slice %arg5[%mul3A_10] : memref<4096xi32, #tpu.memory_space<vmem>> -> memref<128xi32, #tpu.memory_space<vmem>>
      %dma_start3A_11 = arith.constant 0 : i32
      %dma_start3A_12 = arith.constant 0 : i32
      %dma_start3A_13 = tpu.memref_slice %arg2[%dma_start3A_11, %dma_start3A_12] : memref<65536x128xf32, #tpu.memory_space<hbm>> -> memref<65536x128xf32, #tpu.memory_space<hbm>>
      tpu.enqueue_indirect_dma source(%dma_start3A_13 : memref<65536x128xf32, #tpu.memory_space<hbm>>) target(%arg6 : memref<128x128xf32, #tpu.memory_space<vmem>>) offsets(%dma_start3A : memref<128xi32, #tpu.memory_space<vmem>>) semaphore(%arg7 : memref<!tpu.dma_semaphore, #tpu.memory_space<semaphore_mem>>)
      %dma_wait3A = tpu.memref_slice %arg5[%mul3A_10] : memref<4096xi32, #tpu.memory_space<vmem>> -> memref<128xi32, #tpu.memory_space<vmem>>
      %dma_wait3A_14 = arith.constant 0 : i32
      %dma_wait3A_15 = arith.constant 0 : i32
      %dma_wait3A_16 = tpu.memref_slice %arg2[%dma_wait3A_14, %dma_wait3A_15] : memref<65536x128xf32, #tpu.memory_space<hbm>> -> memref<65536x128xf32, #tpu.memory_space<hbm>>
      tpu.wait_indirect_dma semaphore(%arg7 : memref<!tpu.dma_semaphore, #tpu.memory_space<semaphore_mem>>) src(%dma_wait3A_16 : memref<65536x128xf32, #tpu.memory_space<hbm>>) dst(%arg6 : memref<128x128xf32, #tpu.memory_space<vmem>>)
      %mul3A_17 = arith.constant 128 : i32
      %mul3A_18 = arith.muli %scan3A_8, %mul3A_17 : i32
      %add3A_19 = arith.addi %mul3A_2, %mul3A_18 : i32
      "tpu.region"() ({
        %run_scoped3A = tpu.sem_alloc : memref<!tpu.dma_semaphore, #tpu.memory_space<semaphore_mem>>
        %dma_start3A_20 = arith.constant 0 : i32
        %dma_start3A_21 = tpu.memref_slice %arg4[%add3A_19, %dma_start3A_20] : memref<131072x128xf32, #tpu.memory_space<hbm>> -> memref<128x128xf32, #tpu.memory_space<hbm>>
        %dma_start3A_22 = arith.constant 0 : i32
        %dma_start3A_23 = tpu.memref_slice %arg4[%add3A_19, %dma_start3A_22] : memref<131072x128xf32, #tpu.memory_space<hbm>> -> memref<128x128xf32, #tpu.memory_space<hbm>>
        tpu.enqueue_dma source(%arg6 : memref<128x128xf32, #tpu.memory_space<vmem>>) target(%dma_start3A_23 : memref<128x128xf32, #tpu.memory_space<hbm>>) target_semaphore(%run_scoped3A : memref<!tpu.dma_semaphore, #tpu.memory_space<semaphore_mem>>)
        %dma_wait3A_24 = arith.constant 0 : i32
        %dma_wait3A_25 = tpu.memref_slice %arg4[%add3A_19, %dma_wait3A_24] : memref<131072x128xf32, #tpu.memory_space<hbm>> -> memref<128x128xf32, #tpu.memory_space<hbm>>
        %dma_wait3A_26 = arith.constant 0 : i32
        %dma_wait3A_27 = tpu.memref_slice %arg4[%add3A_19, %dma_wait3A_26] : memref<131072x128xf32, #tpu.memory_space<hbm>> -> memref<128x128xf32, #tpu.memory_space<hbm>>
        tpu.wait_dma2 semaphore(%run_scoped3A : memref<!tpu.dma_semaphore, #tpu.memory_space<semaphore_mem>>) src(%arg6 : memref<128x128xf32, #tpu.memory_space<vmem>>) dst(%dma_wait3A_27 : memref<128x128xf32, #tpu.memory_space<hbm>>)
        tpu.yield
      }) : () -> ()
    }
    %scan3A_7 = arith.constant 32 : i32
    return
  }
}

#map = affine_map<(d0, d1) -> (0, 0)>
#map1 = affine_map<(d0, d1) -> (0)>
module attributes {stable_mosaic.version = 14 : i64} {
  func.func @k(%arg0: i32, %arg1: i32, %arg2: memref<65536x128xf32, #tpu.memory_space<hbm>>, %arg3: memref<131072xi32, #tpu.memory_space<hbm>>, %arg4: memref<131072x128xf32, #tpu.memory_space<hbm>>, %arg5: memref<4096xi32, #tpu.memory_space<vmem>>, %arg6: memref<128x128xf32, #tpu.memory_space<vmem>>, %arg7: memref<!tpu.dma_semaphore, #tpu.memory_space<semaphore_mem>>) attributes {dimension_semantics = [#tpu.dimension_semantics<core_parallel>, #tpu.dimension_semantics<subcore_parallel>], iteration_bounds = array<i64: 2, 16>, scalar_prefetch = 0 : i64, scratch_operands = 3 : i64, tpu.core_type = #tpu.core_type<sc_vector_subcore>, window_params = [{transform_indices = #map}, {transform_indices = #map1}, {transform_indices = #map}]} {
    %mul3A = arith.constant 2 : i32
    %mul3A_0 = arith.muli %arg1, %mul3A : i32
    %add3A = arith.addi %mul3A_0, %arg0 : i32
    %mul3A_1 = arith.constant 4096 : i32
    %mul3A_2 = arith.muli %add3A, %mul3A_1 : i32
    "tpu.region"() ({
      %run_scoped3A = tpu.sem_alloc : memref<!tpu.dma_semaphore, #tpu.memory_space<semaphore_mem>>
      %dma_start3A = tpu.memref_slice %arg3[%mul3A_2] : memref<131072xi32, #tpu.memory_space<hbm>> -> memref<4096xi32, #tpu.memory_space<hbm>>
      %dma_start3A_8 = tpu.memref_slice %arg3[%mul3A_2] : memref<131072xi32, #tpu.memory_space<hbm>> -> memref<4096xi32, #tpu.memory_space<hbm>>
      tpu.enqueue_dma source(%dma_start3A_8 : memref<4096xi32, #tpu.memory_space<hbm>>) target(%arg5 : memref<4096xi32, #tpu.memory_space<vmem>>) target_semaphore(%run_scoped3A : memref<!tpu.dma_semaphore, #tpu.memory_space<semaphore_mem>>)
      %dma_wait3A = tpu.memref_slice %arg3[%mul3A_2] : memref<131072xi32, #tpu.memory_space<hbm>> -> memref<4096xi32, #tpu.memory_space<hbm>>
      %dma_wait3A_9 = tpu.memref_slice %arg3[%mul3A_2] : memref<131072xi32, #tpu.memory_space<hbm>> -> memref<4096xi32, #tpu.memory_space<hbm>>
      tpu.wait_dma2 semaphore(%run_scoped3A : memref<!tpu.dma_semaphore, #tpu.memory_space<semaphore_mem>>) src(%dma_wait3A_9 : memref<4096xi32, #tpu.memory_space<hbm>>) dst(%arg5 : memref<4096xi32, #tpu.memory_space<vmem>>)
      tpu.yield
    }) : () -> ()
    %scan3A = arith.constant 0 : i32
    %scan3A_3 = arith.constant 0 : i32
    %scan3A_4 = arith.constant 32 : i32
    %scan3A_5 = arith.addi %scan3A_3, %scan3A_4 : i32
    %scan3A_6 = arith.constant 1 : i32
    scf.for %scan3A_8 = %scan3A_3 to %scan3A_5 step %scan3A_6  : i32 {
      %mul3A_9 = arith.constant 128 : i32
      %mul3A_10 = arith.muli %scan3A_8, %mul3A_9 : i32
      %dma_start3A = tpu.memref_slice %arg5[%mul3A_10] : memref<4096xi32, #tpu.memory_space<vmem>> -> memref<128xi32, #tpu.memory_space<vmem>>
      %dma_start3A_11 = arith.constant 0 : i32
      %dma_start3A_12 = arith.constant 0 : i32
      %dma_start3A_13 = tpu.memref_slice %arg2[%dma_start3A_11, %dma_start3A_12] : memref<65536x128xf32, #tpu.memory_space<hbm>> -> memref<65536x128xf32, #tpu.memory_space<hbm>>
      tpu.enqueue_indirect_dma source(%dma_start3A_13 : memref<65536x128xf32, #tpu.memory_space<hbm>>) target(%arg6 : memref<128x128xf32, #tpu.memory_space<vmem>>) offsets(%dma_start3A : memref<128xi32, #tpu.memory_space<vmem>>) semaphore(%arg7 : memref<!tpu.dma_semaphore, #tpu.memory_space<semaphore_mem>>)
      %dma_wait3A = tpu.memref_slice %arg5[%mul3A_10] : memref<4096xi32, #tpu.memory_space<vmem>> -> memref<128xi32, #tpu.memory_space<vmem>>
      %dma_wait3A_14 = arith.constant 0 : i32
      %dma_wait3A_15 = arith.constant 0 : i32
      %dma_wait3A_16 = tpu.memref_slice %arg2[%dma_wait3A_14, %dma_wait3A_15] : memref<65536x128xf32, #tpu.memory_space<hbm>> -> memref<65536x128xf32, #tpu.memory_space<hbm>>
      tpu.wait_indirect_dma semaphore(%arg7 : memref<!tpu.dma_semaphore, #tpu.memory_space<semaphore_mem>>) src(%dma_wait3A_16 : memref<65536x128xf32, #tpu.memory_space<hbm>>) dst(%arg6 : memref<128x128xf32, #tpu.memory_space<vmem>>)
      %mul3A_17 = arith.constant 128 : i32
      %mul3A_18 = arith.muli %scan3A_8, %mul3A_17 : i32
      %add3A_19 = arith.addi %mul3A_2, %mul3A_18 : i32
      "tpu.region"() ({
        %run_scoped3A = tpu.sem_alloc : memref<!tpu.dma_semaphore, #tpu.memory_space<semaphore_mem>>
        %dma_start3A_20 = arith.constant 0 : i32
        %dma_start3A_21 = tpu.memref_slice %arg4[%add3A_19, %dma_start3A_20] : memref<131072x128xf32, #tpu.memory_space<hbm>> -> memref<128x128xf32, #tpu.memory_space<hbm>>
        %dma_start3A_22 = arith.constant 0 : i32
        %dma_start3A_23 = tpu.memref_slice %arg4[%add3A_19, %dma_start3A_22] : memref<131072x128xf32, #tpu.memory_space<hbm>> -> memref<128x128xf32, #tpu.memory_space<hbm>>
        tpu.enqueue_dma source(%arg6 : memref<128x128xf32, #tpu.memory_space<vmem>>) target(%dma_start3A_23 : memref<128x128xf32, #tpu.memory_space<hbm>>) target_semaphore(%run_scoped3A : memref<!tpu.dma_semaphore, #tpu.memory_space<semaphore_mem>>)
        %dma_wait3A_24 = arith.constant 0 : i32
        %dma_wait3A_25 = tpu.memref_slice %arg4[%add3A_19, %dma_wait3A_24] : memref<131072x128xf32, #tpu.memory_space<hbm>> -> memref<128x128xf32, #tpu.memory_space<hbm>>
        %dma_wait3A_26 = arith.constant 0 : i32
        %dma_wait3A_27 = tpu.memref_slice %arg4[%add3A_19, %dma_wait3A_26] : memref<131072x128xf32, #tpu.memory_space<hbm>> -> memref<128x128xf32, #tpu.memory_space<hbm>>
        tpu.wait_dma2 semaphore(%run_scoped3A : memref<!tpu.dma_semaphore, #tpu.memory_space<semaphore_mem>>) src(%arg6 : memref<128x128xf32, #tpu.memory_space<vmem>>) dst(%dma_wait3A_27 : memref<128x128xf32, #tpu.memory_space<hbm>>)
        tpu.yield
      }) : () -> ()
    }
    %scan3A_7 = arith.constant 32 : i32
    return
  }
}

module attributes {stable_mosaic.version = 14 : i64} {
  func.func @_prep_body(%arg0: i32, %arg1: memref<1x4096x3xf32, #tpu.memory_space<vmem>>, %arg2: memref<1x4096x128xf32, #tpu.memory_space<vmem>>, %arg3: memref<128x128xf32, #tpu.memory_space<vmem>>, %arg4: memref<3x128xf32, #tpu.memory_space<vmem>>, %arg5: memref<1x128xf32, #tpu.memory_space<vmem>>, %arg6: memref<1x4096x128xf32, #tpu.memory_space<vmem>>, %arg7: memref<1x4096x256xf32, #tpu.memory_space<vmem>>) attributes {dimension_semantics = [#tpu.dimension_semantics<arbitrary>], iteration_bounds = array<i64: 16>, scalar_prefetch = 0 : i64, scratch_operands = 0 : i64, tpu.core_type = #tpu.core_type<tc>, window_params = [{transform_indices = @transform_0, window_bounds = array<i64: 1, 4096, 3>}, {transform_indices = @transform_1, window_bounds = array<i64: 1, 4096, 128>}, {pipeline_mode = #tpu.pipeline_mode<synchronous>, transform_indices = @transform_2, window_bounds = array<i64: 128, 128>}, {pipeline_mode = #tpu.pipeline_mode<synchronous>, transform_indices = @transform_3, window_bounds = array<i64: 3, 128>}, {pipeline_mode = #tpu.pipeline_mode<synchronous>, transform_indices = @transform_4, window_bounds = array<i64: 1, 128>}, {transform_indices = @transform_5, window_bounds = array<i64: 1, 4096, 128>}, {transform_indices = @transform_6, window_bounds = array<i64: 1, 4096, 256>}]} {
    %get3A = arith.constant 0 : index
    %get3A_0 = arith.constant 0 : index
    %get3A_1 = arith.constant 0 : index
    %get3A_2 = vector.load %arg1[%get3A, %get3A_0, %get3A_1] : memref<1x4096x3xf32, #tpu.memory_space<vmem>>, vector<1x4096x3xf32>
    %get3A_3 = vector.shape_cast %get3A_2 : vector<1x4096x3xf32> to vector<4096x3xf32>
    %get3A_4 = arith.constant 0 : index
    %get3A_5 = arith.constant 0 : index
    %get3A_6 = arith.constant 0 : index
    %get3A_7 = vector.load %arg2[%get3A_4, %get3A_5, %get3A_6] : memref<1x4096x128xf32, #tpu.memory_space<vmem>>, vector<1x4096x128xf32>
    %get3A_8 = vector.shape_cast %get3A_7 : vector<1x4096x128xf32> to vector<4096x128xf32>
    %get3A_9 = arith.constant 0 : index
    %get3A_10 = arith.constant 0 : index
    %get3A_11 = vector.load %arg4[%get3A_9, %get3A_10] : memref<3x128xf32, #tpu.memory_space<vmem>>, vector<3x128xf32>
    %dot_general3A = arith.constant dense<0.000000e+00> : vector<4096x128xf32>
    %dot_general3A_12 = tpu.matmul %get3A_3, %get3A_11, %dot_general3A {dimension_numbers = #tpu.dot_dimension_numbers<[1], [0], [0], [1], [0, 0, 1, 1], [], []>, transpose_lhs_hint = false} : vector<4096x3xf32>, vector<3x128xf32>, vector<4096x128xf32> -> vector<4096x128xf32>
    %get3A_13 = arith.constant 0 : index
    %get3A_14 = arith.constant 0 : index
    %get3A_15 = vector.load %arg3[%get3A_13, %get3A_14] : memref<128x128xf32, #tpu.memory_space<vmem>>, vector<128x128xf32>
    %dot_general3A_16 = arith.constant dense<0.000000e+00> : vector<4096x128xf32>
    %dot_general3A_17 = tpu.matmul %get3A_8, %get3A_15, %dot_general3A_16 {dimension_numbers = #tpu.dot_dimension_numbers<[1], [0], [0], [1], [0, 0, 1, 1], [], []>, transpose_lhs_hint = false} : vector<4096x128xf32>, vector<128x128xf32>, vector<4096x128xf32> -> vector<4096x128xf32>
    %add3A = arith.addf %dot_general3A_17, %dot_general3A_12 : vector<4096x128xf32>
    %get3A_18 = arith.constant 0 : index
    %get3A_19 = arith.constant 0 : index
    %get3A_20 = vector.load %arg5[%get3A_18, %get3A_19] : memref<1x128xf32, #tpu.memory_space<vmem>>, vector<1x128xf32>
    %add3A_21 = vector.broadcast %get3A_20 : vector<1x128xf32> to vector<4096x128xf32>
    %add3A_22 = arith.addf %add3A, %add3A_21 : vector<4096x128xf32>
    %swap3A = arith.constant 0 : index
    %swap3A_23 = arith.constant 0 : index
    %swap3A_24 = arith.constant 0 : index
    %swap3A_25 = vector.load %arg6[%swap3A, %swap3A_23, %swap3A_24] : memref<1x4096x128xf32, #tpu.memory_space<vmem>>, vector<1x4096x128xf32>
    %swap3A_26 = vector.shape_cast %swap3A_25 : vector<1x4096x128xf32> to vector<4096x128xf32>
    %swap3A_27 = vector.shape_cast %add3A_22 : vector<4096x128xf32> to vector<1x4096x128xf32>
    tpu.vector_store %arg6[%swap3A, %swap3A_23, %swap3A_24], %swap3A_27 {strides = array<i32>} : memref<1x4096x128xf32, #tpu.memory_space<vmem>>, vector<1x4096x128xf32>,
    %broadcast_in_dim3A = arith.constant 0.000000e+00 : f32
    %broadcast_in_dim3A_28 = vector.broadcast %broadcast_in_dim3A : f32 to vector<4096x125xf32>
    %concatenate3A = tpu.concatenate %dot_general3A_12, %get3A_3, %broadcast_in_dim3A_28 in 1 : vector<4096x128xf32>, vector<4096x3xf32>, vector<4096x125xf32> -> vector<4096x256xf32>
    %swap3A_29 = arith.constant 0 : index
    %swap3A_30 = arith.constant 0 : index
    %swap3A_31 = arith.constant 0 : index
    %swap3A_32 = vector.load %arg7[%swap3A_29, %swap3A_30, %swap3A_31] : memref<1x4096x256xf32, #tpu.memory_space<vmem>>, vector<1x4096x256xf32>
    %swap3A_33 = vector.shape_cast %swap3A_32 : vector<1x4096x256xf32> to vector<4096x256xf32>
    %swap3A_34 = vector.shape_cast %concatenate3A : vector<4096x256xf32> to vector<1x4096x256xf32>
    tpu.vector_store %arg7[%swap3A_29, %swap3A_30, %swap3A_31], %swap3A_34 {strides = array<i32>} : memref<1x4096x256xf32, #tpu.memory_space<vmem>>, vector<1x4096x256xf32>,
    return
  }
  func.func @transform_0(%arg0: i32) -> (i32, i32, i32) {
    %c0_i32 = arith.constant 0 : i32
    %c0_i32_0 = arith.constant 0 : i32
    %c0_i32_1 = arith.constant 0 : i32
    return %arg0, %c0_i32, %c0_i32_0 : i32, i32, i32
  }
  func.func @transform_1(%arg0: i32) -> (i32, i32, i32) {
    %c0_i32 = arith.constant 0 : i32
    %c0_i32_0 = arith.constant 0 : i32
    %c0_i32_1 = arith.constant 0 : i32
    return %arg0, %c0_i32, %c0_i32_0 : i32, i32, i32
  }
  func.func @transform_2(%arg0: i32) -> (i32, i32) {
    %c0_i32 = arith.constant 0 : i32
    %c0_i32_0 = arith.constant 0 : i32
    %c0_i32_1 = arith.constant 0 : i32
    return %c0_i32, %c0_i32_0 : i32, i32
  }
  func.func @transform_3(%arg0: i32) -> (i32, i32) {
    %c0_i32 = arith.constant 0 : i32
    %c0_i32_0 = arith.constant 0 : i32
    %c0_i32_1 = arith.constant 0 : i32
    return %c0_i32, %c0_i32_0 : i32, i32
  }
  func.func @transform_4(%arg0: i32) -> (i32, i32) {
    %c0_i32 = arith.constant 0 : i32
    %c0_i32_0 = arith.constant 0 : i32
    %c0_i32_1 = arith.constant 0 : i32
    return %c0_i32, %c0_i32_0 : i32, i32
  }
  func.func @transform_5(%arg0: i32) -> (i32, i32, i32) {
    %c0_i32 = arith.constant 0 : i32
    %c0_i32_0 = arith.constant 0 : i32
    %c0_i32_1 = arith.constant 0 : i32
    return %arg0, %c0_i32, %c0_i32_0 : i32, i32, i32
  }
  func.func @transform_6(%arg0: i32) -> (i32, i32, i32) {
    %c0_i32 = arith.constant 0 : i32
    %c0_i32_0 = arith.constant 0 : i32
    %c0_i32_1 = arith.constant 0 : i32
    return %arg0, %c0_i32, %c0_i32_0 : i32, i32, i32
  }
}

module attributes {stable_mosaic.version = 14 : i64} {
  func.func @_topk_body(%arg0: i32, %arg1: i32, %arg2: memref<1x512x3xf32, #tpu.memory_space<vmem>>, %arg3: memref<1x4096x3xf32, #tpu.memory_space<vmem>>, %arg4: memref<1x512x32xi32, #tpu.memory_space<vmem>>, %arg5: memref<512x4096xf32, #tpu.memory_space<vmem>>) attributes {dimension_semantics = [#tpu.dimension_semantics<arbitrary>, #tpu.dimension_semantics<arbitrary>], iteration_bounds = array<i64: 4, 2>, scalar_prefetch = 0 : i64, scratch_operands = 1 : i64, tpu.core_type = #tpu.core_type<tc>, window_params = [{transform_indices = @transform_0, window_bounds = array<i64: 1, 512, 3>}, {transform_indices = @transform_1, window_bounds = array<i64: 1, 4096, 3>}, {transform_indices = @transform_2, window_bounds = array<i64: 1, 512, 32>}]} {
    %get3A = arith.constant 0 : index
    %get3A_0 = arith.constant 0 : index
    %get3A_1 = arith.constant 0 : index
    %get3A_2 = vector.load %arg2[%get3A, %get3A_0, %get3A_1] : memref<1x512x3xf32, #tpu.memory_space<vmem>>, vector<1x512x3xf32>
    %get3A_3 = vector.shape_cast %get3A_2 : vector<1x512x3xf32> to vector<512x3xf32>
    %get3A_4 = arith.constant 0 : index
    %get3A_5 = arith.constant 0 : index
    %get3A_6 = arith.constant 0 : index
    %get3A_7 = vector.load %arg3[%get3A_4, %get3A_5, %get3A_6] : memref<1x4096x3xf32, #tpu.memory_space<vmem>>, vector<1x4096x3xf32>
    %get3A_8 = vector.shape_cast %get3A_7 : vector<1x4096x3xf32> to vector<4096x3xf32>
    %dot_general3A = arith.constant dense<0.000000e+00> : vector<512x4096xf32>
    %dot_general3A_9 = tpu.matmul %get3A_3, %get3A_8, %dot_general3A {dimension_numbers = #tpu.dot_dimension_numbers<[1], [1], [0], [0], [0, 0, 1, 0], [], []>, transpose_lhs_hint = false} : vector<512x3xf32>, vector<4096x3xf32>, vector<512x4096xf32> -> vector<512x4096xf32>
    %mul3A = arith.mulf %get3A_3, %get3A_3 : vector<512x3xf32>
    %reduce_sum3A = arith.constant dense<0.000000e+00> : vector<512xf32>
    %reduce_sum3A_10 = vector.multi_reduction <add>, %mul3A, %reduce_sum3A [1] : vector<512x3xf32> to vector<512xf32>
    %broadcast_in_dim3A = vector.shape_cast %reduce_sum3A_10 : vector<512xf32> to vector<512x1xf32>
    %mul3A_11 = arith.mulf %get3A_8, %get3A_8 : vector<4096x3xf32>
    %reduce_sum3A_12 = arith.constant dense<0.000000e+00> : vector<4096xf32>
    %reduce_sum3A_13 = vector.multi_reduction <add>, %mul3A_11, %reduce_sum3A_12 [1] : vector<4096x3xf32> to vector<4096xf32>
    %mul3A_14 = arith.constant 2.000000e+00 : f32
    %mul3A_15 = vector.broadcast %mul3A_14 : f32 to vector<512x4096xf32>
    %mul3A_16 = arith.mulf %mul3A_15, %dot_general3A_9 : vector<512x4096xf32>
    %sub3A = vector.broadcast %broadcast_in_dim3A : vector<512x1xf32> to vector<512x4096xf32>
    %sub3A_17 = arith.subf %sub3A, %mul3A_16 : vector<512x4096xf32>
    %broadcast_in_dim3A_18 = vector.shape_cast %reduce_sum3A_13 : vector<4096xf32> to vector<1x4096xf32>
    %add3A = vector.broadcast %broadcast_in_dim3A_18 : vector<1x4096xf32> to vector<512x4096xf32>
    %add3A_19 = arith.addf %sub3A_17, %add3A : vector<512x4096xf32>
    %swap3A = arith.constant 0 : index
    %swap3A_20 = arith.constant 0 : index
    %swap3A_21 = vector.load %arg5[%swap3A, %swap3A_20] : memref<512x4096xf32, #tpu.memory_space<vmem>>, vector<512x4096xf32>
    tpu.vector_store %arg5[%swap3A, %swap3A_20], %add3A_19 {strides = array<i32>} : memref<512x4096xf32, #tpu.memory_space<vmem>>, vector<512x4096xf32>,
    %iota3A = tpu.iota {dimensions = array<i32: 1>} : vector<512x4096xi32>
    %convert_element_type3A = arith.sitofp %iota3A : vector<512x4096xi32> to vector<512x4096xf32>
    %iota3A_22 = tpu.iota {dimensions = array<i32: 1>} : vector<512x32xi32>
    %broadcast_in_dim3A_23 = arith.constant 0 : i32
    %broadcast_in_dim3A_24 = vector.broadcast %broadcast_in_dim3A_23 : i32 to vector<512x32xi32>
    %scan3A = arith.constant 0 : i32
    %scan3A_25 = arith.constant 32 : i32
    %scan3A_26 = arith.addi %scan3A, %scan3A_25 : i32
    %scan3A_27 = arith.constant 4 : i32
    %scan3A_28 = scf.for %scan3A_36 = %scan3A to %scan3A_26 step %scan3A_27 iter_args(%scan3A_37 = %broadcast_in_dim3A_24) -> (vector<512x32xi32>)  : i32 {
      %get3A_38 = arith.constant 0 : index
      %get3A_39 = arith.constant 0 : index
      %get3A_40 = vector.load %arg5[%get3A_38, %get3A_39] : memref<512x4096xf32, #tpu.memory_space<vmem>>, vector<512x4096xf32>
      %reduce_min3A = arith.constant dense<0x7F800000> : vector<512xf32>
      %reduce_min3A_41 = vector.multi_reduction <minimumf>, %get3A_40, %reduce_min3A [1] : vector<512x4096xf32> to vector<512xf32>
      %broadcast_in_dim3A_42 = vector.shape_cast %reduce_min3A_41 : vector<512xf32> to vector<512x1xf32>
      %eq3A = vector.broadcast %broadcast_in_dim3A_42 : vector<512x1xf32> to vector<512x4096xf32>
      %eq3A_43 = arith.cmpf oeq, %get3A_40, %eq3A : vector<512x4096xf32>
      %jit3A = arith.constant 4.096000e+03 : f32
      %broadcast_in_dim3A_44 = vector.broadcast %jit3A : f32 to vector<512x4096xf32>
      %select_n3A = arith.select %eq3A_43, %convert_element_type3A, %broadcast_in_dim3A_44 : vector<512x4096xi1>, vector<512x4096xf32>
      %reduce_min3A_45 = arith.constant dense<0x7F800000> : vector<512xf32>
      %reduce_min3A_46 = vector.multi_reduction <minimumf>, %select_n3A, %reduce_min3A_45 [1] : vector<512x4096xf32> to vector<512xf32>
      %broadcast_in_dim3A_47 = vector.shape_cast %reduce_min3A_46 : vector<512xf32> to vector<512x1xf32>
      %eq3A_48 = vector.broadcast %scan3A_36 : i32 to vector<512x32xi32>
      %eq3A_49 = arith.cmpi eq, %iota3A_22, %eq3A_48 : vector<512x32xi32>
      %convert_element_type3A_50 = arith.fptosi %broadcast_in_dim3A_47 : vector<512x1xf32> to vector<512x1xi32>
      %broadcast_in_dim3A_51 = vector.shape_cast %convert_element_type3A_50 : vector<512x1xi32> to vector<512x1xi32>
      %broadcast_in_dim3A_52 = vector.broadcast %broadcast_in_dim3A_51 : vector<512x1xi32> to vector<512x32xi32>
      %select_n3A_53 = arith.select %eq3A_49, %broadcast_in_dim3A_52, %scan3A_37 : vector<512x32xi1>, vector<512x32xi32>
      %eq3A_54 = vector.broadcast %broadcast_in_dim3A_47 : vector<512x1xf32> to vector<512x4096xf32>
      %eq3A_55 = arith.cmpf oeq, %convert_element_type3A, %eq3A_54 : vector<512x4096xf32>
      %jit3A_56 = arith.constant 0x7F800000 : f32
      %broadcast_in_dim3A_57 = vector.broadcast %jit3A_56 : f32 to vector<512x4096xf32>
      %select_n3A_58 = arith.select %eq3A_55, %broadcast_in_dim3A_57, %get3A_40 : vector<512x4096xi1>, vector<512x4096xf32>
      %swap3A_59 = arith.constant 0 : index
      %swap3A_60 = arith.constant 0 : index
      %swap3A_61 = vector.load %arg5[%swap3A_59, %swap3A_60] : memref<512x4096xf32, #tpu.memory_space<vmem>>, vector<512x4096xf32>
      tpu.vector_store %arg5[%swap3A_59, %swap3A_60], %select_n3A_58 {strides = array<i32>} : memref<512x4096xf32, #tpu.memory_space<vmem>>, vector<512x4096xf32>,
      %scan3A_62 = arith.constant 1 : i32
      %scan3A_63 = arith.addi %scan3A_36, %scan3A_62 : i32
      %get3A_64 = arith.constant 0 : index
      %get3A_65 = arith.constant 0 : index
      %get3A_66 = vector.load %arg5[%get3A_64, %get3A_65] : memref<512x4096xf32, #tpu.memory_space<vmem>>, vector<512x4096xf32>
      %reduce_min3A_67 = arith.constant dense<0x7F800000> : vector<512xf32>
      %reduce_min3A_68 = vector.multi_reduction <minimumf>, %get3A_66, %reduce_min3A_67 [1] : vector<512x4096xf32> to vector<512xf32>
      %broadcast_in_dim3A_69 = vector.shape_cast %reduce_min3A_68 : vector<512xf32> to vector<512x1xf32>
      %eq3A_70 = vector.broadcast %broadcast_in_dim3A_69 : vector<512x1xf32> to vector<512x4096xf32>
      %eq3A_71 = arith.cmpf oeq, %get3A_66, %eq3A_70 : vector<512x4096xf32>
      %jit3A_72 = arith.constant 4.096000e+03 : f32
      %broadcast_in_dim3A_73 = vector.broadcast %jit3A_72 : f32 to vector<512x4096xf32>
      %select_n3A_74 = arith.select %eq3A_71, %convert_element_type3A, %broadcast_in_dim3A_73 : vector<512x4096xi1>, vector<512x4096xf32>
      %reduce_min3A_75 = arith.constant dense<0x7F800000> : vector<512xf32>
      %reduce_min3A_76 = vector.multi_reduction <minimumf>, %select_n3A_74, %reduce_min3A_75 [1] : vector<512x4096xf32> to vector<512xf32>
      %broadcast_in_dim3A_77 = vector.shape_cast %reduce_min3A_76 : vector<512xf32> to vector<512x1xf32>
      %eq3A_78 = vector.broadcast %scan3A_63 : i32 to vector<512x32xi32>
      %eq3A_79 = arith.cmpi eq, %iota3A_22, %eq3A_78 : vector<512x32xi32>
      %convert_element_type3A_80 = arith.fptosi %broadcast_in_dim3A_77 : vector<512x1xf32> to vector<512x1xi32>
      %broadcast_in_dim3A_81 = vector.shape_cast %convert_element_type3A_80 : vector<512x1xi32> to vector<512x1xi32>
      %broadcast_in_dim3A_82 = vector.broadcast %broadcast_in_dim3A_81 : vector<512x1xi32> to vector<512x32xi32>
      %select_n3A_83 = arith.select %eq3A_79, %broadcast_in_dim3A_82, %select_n3A_53 : vector<512x32xi1>, vector<512x32xi32>
      %eq3A_84 = vector.broadcast %broadcast_in_dim3A_77 : vector<512x1xf32> to vector<512x4096xf32>
      %eq3A_85 = arith.cmpf oeq, %convert_element_type3A, %eq3A_84 : vector<512x4096xf32>
      %jit3A_86 = arith.constant 0x7F800000 : f32
      %broadcast_in_dim3A_87 = vector.broadcast %jit3A_86 : f32 to vector<512x4096xf32>
      %select_n3A_88 = arith.select %eq3A_85, %broadcast_in_dim3A_87, %get3A_66 : vector<512x4096xi1>, vector<512x4096xf32>
      %swap3A_89 = arith.constant 0 : index
      %swap3A_90 = arith.constant 0 : index
      %swap3A_91 = vector.load %arg5[%swap3A_89, %swap3A_90] : memref<512x4096xf32, #tpu.memory_space<vmem>>, vector<512x4096xf32>
      tpu.vector_store %arg5[%swap3A_89, %swap3A_90], %select_n3A_88 {strides = array<i32>} : memref<512x4096xf32, #tpu.memory_space<vmem>>, vector<512x4096xf32>,
      %scan3A_92 = arith.constant 2 : i32
      %scan3A_93 = arith.addi %scan3A_36, %scan3A_92 : i32
      %get3A_94 = arith.constant 0 : index
      %get3A_95 = arith.constant 0 : index
      %get3A_96 = vector.load %arg5[%get3A_94, %get3A_95] : memref<512x4096xf32, #tpu.memory_space<vmem>>, vector<512x4096xf32>
      %reduce_min3A_97 = arith.constant dense<0x7F800000> : vector<512xf32>
      %reduce_min3A_98 = vector.multi_reduction <minimumf>, %get3A_96, %reduce_min3A_97 [1] : vector<512x4096xf32> to vector<512xf32>
      %broadcast_in_dim3A_99 = vector.shape_cast %reduce_min3A_98 : vector<512xf32> to vector<512x1xf32>
      %eq3A_100 = vector.broadcast %broadcast_in_dim3A_99 : vector<512x1xf32> to vector<512x4096xf32>
      %eq3A_101 = arith.cmpf oeq, %get3A_96, %eq3A_100 : vector<512x4096xf32>
      %jit3A_102 = arith.constant 4.096000e+03 : f32
      %broadcast_in_dim3A_103 = vector.broadcast %jit3A_102 : f32 to vector<512x4096xf32>
      %select_n3A_104 = arith.select %eq3A_101, %convert_element_type3A, %broadcast_in_dim3A_103 : vector<512x4096xi1>, vector<512x4096xf32>
      %reduce_min3A_105 = arith.constant dense<0x7F800000> : vector<512xf32>
      %reduce_min3A_106 = vector.multi_reduction <minimumf>, %select_n3A_104, %reduce_min3A_105 [1] : vector<512x4096xf32> to vector<512xf32>
      %broadcast_in_dim3A_107 = vector.shape_cast %reduce_min3A_106 : vector<512xf32> to vector<512x1xf32>
      %eq3A_108 = vector.broadcast %scan3A_93 : i32 to vector<512x32xi32>
      %eq3A_109 = arith.cmpi eq, %iota3A_22, %eq3A_108 : vector<512x32xi32>
      %convert_element_type3A_110 = arith.fptosi %broadcast_in_dim3A_107 : vector<512x1xf32> to vector<512x1xi32>
      %broadcast_in_dim3A_111 = vector.shape_cast %convert_element_type3A_110 : vector<512x1xi32> to vector<512x1xi32>
      %broadcast_in_dim3A_112 = vector.broadcast %broadcast_in_dim3A_111 : vector<512x1xi32> to vector<512x32xi32>
      %select_n3A_113 = arith.select %eq3A_109, %broadcast_in_dim3A_112, %select_n3A_83 : vector<512x32xi1>, vector<512x32xi32>
      %eq3A_114 = vector.broadcast %broadcast_in_dim3A_107 : vector<512x1xf32> to vector<512x4096xf32>
      %eq3A_115 = arith.cmpf oeq, %convert_element_type3A, %eq3A_114 : vector<512x4096xf32>
      %jit3A_116 = arith.constant 0x7F800000 : f32
      %broadcast_in_dim3A_117 = vector.broadcast %jit3A_116 : f32 to vector<512x4096xf32>
      %select_n3A_118 = arith.select %eq3A_115, %broadcast_in_dim3A_117, %get3A_96 : vector<512x4096xi1>, vector<512x4096xf32>
      %swap3A_119 = arith.constant 0 : index
      %swap3A_120 = arith.constant 0 : index
      %swap3A_121 = vector.load %arg5[%swap3A_119, %swap3A_120] : memref<512x4096xf32, #tpu.memory_space<vmem>>, vector<512x4096xf32>
      tpu.vector_store %arg5[%swap3A_119, %swap3A_120], %select_n3A_118 {strides = array<i32>} : memref<512x4096xf32, #tpu.memory_space<vmem>>, vector<512x4096xf32>,
      %scan3A_122 = arith.constant 3 : i32
      %scan3A_123 = arith.addi %scan3A_36, %scan3A_122 : i32
      %get3A_124 = arith.constant 0 : index
      %get3A_125 = arith.constant 0 : index
      %get3A_126 = vector.load %arg5[%get3A_124, %get3A_125] : memref<512x4096xf32, #tpu.memory_space<vmem>>, vector<512x4096xf32>
      %reduce_min3A_127 = arith.constant dense<0x7F800000> : vector<512xf32>
      %reduce_min3A_128 = vector.multi_reduction <minimumf>, %get3A_126, %reduce_min3A_127 [1] : vector<512x4096xf32> to vector<512xf32>
      %broadcast_in_dim3A_129 = vector.shape_cast %reduce_min3A_128 : vector<512xf32> to vector<512x1xf32>
      %eq3A_130 = vector.broadcast %broadcast_in_dim3A_129 : vector<512x1xf32> to vector<512x4096xf32>
      %eq3A_131 = arith.cmpf oeq, %get3A_126, %eq3A_130 : vector<512x4096xf32>
      %jit3A_132 = arith.constant 4.096000e+03 : f32
      %broadcast_in_dim3A_133 = vector.broadcast %jit3A_132 : f32 to vector<512x4096xf32>
      %select_n3A_134 = arith.select %eq3A_131, %convert_element_type3A, %broadcast_in_dim3A_133 : vector<512x4096xi1>, vector<512x4096xf32>
      %reduce_min3A_135 = arith.constant dense<0x7F800000> : vector<512xf32>
      %reduce_min3A_136 = vector.multi_reduction <minimumf>, %select_n3A_134, %reduce_min3A_135 [1] : vector<512x4096xf32> to vector<512xf32>
      %broadcast_in_dim3A_137 = vector.shape_cast %reduce_min3A_136 : vector<512xf32> to vector<512x1xf32>
      %eq3A_138 = vector.broadcast %scan3A_123 : i32 to vector<512x32xi32>
      %eq3A_139 = arith.cmpi eq, %iota3A_22, %eq3A_138 : vector<512x32xi32>
      %convert_element_type3A_140 = arith.fptosi %broadcast_in_dim3A_137 : vector<512x1xf32> to vector<512x1xi32>
      %broadcast_in_dim3A_141 = vector.shape_cast %convert_element_type3A_140 : vector<512x1xi32> to vector<512x1xi32>
      %broadcast_in_dim3A_142 = vector.broadcast %broadcast_in_dim3A_141 : vector<512x1xi32> to vector<512x32xi32>
      %select_n3A_143 = arith.select %eq3A_139, %broadcast_in_dim3A_142, %select_n3A_113 : vector<512x32xi1>, vector<512x32xi32>
      %eq3A_144 = vector.broadcast %broadcast_in_dim3A_137 : vector<512x1xf32> to vector<512x4096xf32>
      %eq3A_145 = arith.cmpf oeq, %convert_element_type3A, %eq3A_144 : vector<512x4096xf32>
      %jit3A_146 = arith.constant 0x7F800000 : f32
      %broadcast_in_dim3A_147 = vector.broadcast %jit3A_146 : f32 to vector<512x4096xf32>
      %select_n3A_148 = arith.select %eq3A_145, %broadcast_in_dim3A_147, %get3A_126 : vector<512x4096xi1>, vector<512x4096xf32>
      %swap3A_149 = arith.constant 0 : index
      %swap3A_150 = arith.constant 0 : index
      %swap3A_151 = vector.load %arg5[%swap3A_149, %swap3A_150] : memref<512x4096xf32, #tpu.memory_space<vmem>>, vector<512x4096xf32>
      tpu.vector_store %arg5[%swap3A_149, %swap3A_150], %select_n3A_148 {strides = array<i32>} : memref<512x4096xf32, #tpu.memory_space<vmem>>, vector<512x4096xf32>,
      scf.yield %select_n3A_143 : vector<512x32xi32>
    }
    %scan3A_29 = arith.constant 32 : i32
    %swap3A_30 = arith.constant 0 : index
    %swap3A_31 = arith.constant 0 : index
    %swap3A_32 = arith.constant 0 : index
    %swap3A_33 = vector.load %arg4[%swap3A_30, %swap3A_31, %swap3A_32] : memref<1x512x32xi32, #tpu.memory_space<vmem>>, vector<1x512x32xi32>
    %swap3A_34 = vector.shape_cast %swap3A_33 : vector<1x512x32xi32> to vector<512x32xi32>
    %swap3A_35 = vector.shape_cast %scan3A_28 : vector<512x32xi32> to vector<1x512x32xi32>
    tpu.vector_store %arg4[%swap3A_30, %swap3A_31, %swap3A_32], %swap3A_35 {strides = array<i32>} : memref<1x512x32xi32, #tpu.memory_space<vmem>>, vector<1x512x32xi32>,
    return
  }
  func.func @transform_0(%arg0: i32, %arg1: i32) -> (i32, i32, i32) {
    %c0_i32 = arith.constant 0 : i32
    %c0_i32_0 = arith.constant 0 : i32
    return %arg0, %arg1, %c0_i32 : i32, i32, i32
  }
  func.func @transform_1(%arg0: i32, %arg1: i32) -> (i32, i32, i32) {
    %c0_i32 = arith.constant 0 : i32
    %c0_i32_0 = arith.constant 0 : i32
    %c0_i32_1 = arith.constant 0 : i32
    return %arg0, %c0_i32, %c0_i32_0 : i32, i32, i32
  }
  func.func @transform_2(%arg0: i32, %arg1: i32) -> (i32, i32, i32) {
    %c0_i32 = arith.constant 0 : i32
    %c0_i32_0 = arith.constant 0 : i32
    return %arg0, %arg1, %c0_i32 : i32, i32, i32
  }
}

module attributes {stable_mosaic.version = 14 : i64} {
  func.func @_stats_body(%arg0: i32, %arg1: memref<2048x128xf32, #tpu.memory_space<vmem>>, %arg2: memref<64x128xf32, #tpu.memory_space<vmem>>, %arg3: memref<8x128xf32, #tpu.memory_space<vmem>>) attributes {dimension_semantics = [#tpu.dimension_semantics<arbitrary>], iteration_bounds = array<i64: 64>, scalar_prefetch = 0 : i64, scratch_operands = 0 : i64, tpu.core_type = #tpu.core_type<tc>, window_params = [{transform_indices = @transform_0, window_bounds = array<i64: 2048, 128>}, {transform_indices = @transform_1, window_bounds = array<i64: 64, 128>}, {pipeline_mode = #tpu.pipeline_mode<synchronous>, transform_indices = @transform_2, window_bounds = array<i64: 8, 128>}]} {
    %get3A = arith.constant 0 : index
    %get3A_0 = arith.constant 0 : index
    %get3A_1 = vector.load %arg1[%get3A, %get3A_0] : memref<2048x128xf32, #tpu.memory_space<vmem>>, vector<2048x128xf32>
    %reshape3A = vector.shape_cast %get3A_1 : vector<2048x128xf32> to vector<64x32x128xf32>
    %get3A_2 = arith.constant 0 : index
    %get3A_3 = arith.constant 0 : index
    %get3A_4 = vector.load %arg2[%get3A_2, %get3A_3] : memref<64x128xf32, #tpu.memory_space<vmem>>, vector<64x128xf32>
    %broadcast_in_dim3A = vector.shape_cast %get3A_4 : vector<64x128xf32> to vector<64x1x128xf32>
    %sub3A = vector.broadcast %broadcast_in_dim3A : vector<64x1x128xf32> to vector<64x32x128xf32>
    %sub3A_5 = arith.subf %reshape3A, %sub3A : vector<64x32x128xf32>
    %reshape3A_6 = vector.shape_cast %sub3A_5 : vector<64x32x128xf32> to vector<2048x128xf32>
    %reduce_sum3A = arith.constant dense<0.000000e+00> : vector<128xf32>
    %reduce_sum3A_7 = vector.multi_reduction <add>, %reshape3A_6, %reduce_sum3A [0] : vector<2048x128xf32> to vector<128xf32>
    %mul3A = arith.mulf %reshape3A_6, %reshape3A_6 : vector<2048x128xf32>
    %reduce_sum3A_8 = arith.constant dense<0.000000e+00> : vector<128xf32>
    %reduce_sum3A_9 = vector.multi_reduction <add>, %mul3A, %reduce_sum3A_8 [0] : vector<2048x128xf32> to vector<128xf32>
    %eq3A = arith.constant 0 : i32
    %eq3A_10 = arith.cmpi eq, %arg0, %eq3A : i32
    %convert_element_type3A = arith.extui %eq3A_10 : i1 to i32
    %cond3A = arith.constant 0 : i32
    %cond3A_11 = arith.cmpi ne, %convert_element_type3A, %cond3A : i32
    scf.if %cond3A_11 {
      %broadcast_in_dim3A_21 = arith.constant 0.000000e+00 : f32
      %broadcast_in_dim3A_22 = vector.broadcast %broadcast_in_dim3A_21 : f32 to vector<8x128xf32>
      %swap3A_23 = arith.constant 0 : index
      %swap3A_24 = arith.constant 0 : index
      %swap3A_25 = vector.load %arg3[%swap3A_23, %swap3A_24] : memref<8x128xf32, #tpu.memory_space<vmem>>, vector<8x128xf32>
      tpu.vector_store %arg3[%swap3A_23, %swap3A_24], %broadcast_in_dim3A_22 {strides = array<i32>} : memref<8x128xf32, #tpu.memory_space<vmem>>, vector<8x128xf32>,
    } else {
    }
    %get3A_12 = arith.constant 0 : index
    %get3A_13 = arith.constant 0 : index
    %get3A_14 = vector.load %arg3[%get3A_12, %get3A_13] : memref<8x128xf32, #tpu.memory_space<vmem>>, vector<8x128xf32>
    %broadcast_in_dim3A_15 = vector.shape_cast %reduce_sum3A_7 : vector<128xf32> to vector<1x128xf32>
    %broadcast_in_dim3A_16 = vector.shape_cast %reduce_sum3A_9 : vector<128xf32> to vector<1x128xf32>
    %broadcast_in_dim3A_17 = arith.constant 0.000000e+00 : f32
    %broadcast_in_dim3A_18 = vector.broadcast %broadcast_in_dim3A_17 : f32 to vector<6x128xf32>
    %concatenate3A = tpu.concatenate %broadcast_in_dim3A_15, %broadcast_in_dim3A_16, %broadcast_in_dim3A_18 in 0 : vector<1x128xf32>, vector<1x128xf32>, vector<6x128xf32> -> vector<8x128xf32>
    %add3A = arith.addf %get3A_14, %concatenate3A : vector<8x128xf32>
    %swap3A = arith.constant 0 : index
    %swap3A_19 = arith.constant 0 : index
    %swap3A_20 = vector.load %arg3[%swap3A, %swap3A_19] : memref<8x128xf32, #tpu.memory_space<vmem>>, vector<8x128xf32>
    tpu.vector_store %arg3[%swap3A, %swap3A_19], %add3A {strides = array<i32>} : memref<8x128xf32, #tpu.memory_space<vmem>>, vector<8x128xf32>,
    return
  }
  func.func @transform_0(%arg0: i32) -> (i32, i32) {
    %c0_i32 = arith.constant 0 : i32
    %c0_i32_0 = arith.constant 0 : i32
    return %arg0, %c0_i32 : i32, i32
  }
  func.func @transform_1(%arg0: i32) -> (i32, i32) {
    %c0_i32 = arith.constant 0 : i32
    %c0_i32_0 = arith.constant 0 : i32
    return %arg0, %c0_i32 : i32, i32
  }
  func.func @transform_2(%arg0: i32) -> (i32, i32) {
    %c0_i32 = arith.constant 0 : i32
    %c0_i32_0 = arith.constant 0 : i32
    %c0_i32_1 = arith.constant 0 : i32
    return %c0_i32, %c0_i32_0 : i32, i32
  }
}

module attributes {stable_mosaic.version = 14 : i64} {
  func.func @_mlp2_body(%arg0: i32, %arg1: memref<1024x128xf32, #tpu.memory_space<vmem>>, %arg2: memref<32x128xf32, #tpu.memory_space<vmem>>, %arg3: memref<4x8x128xf32, #tpu.memory_space<vmem>>, %arg4: memref<1x128xf32, #tpu.memory_space<vmem>>, %arg5: memref<1x128xf32, #tpu.memory_space<vmem>>, %arg6: memref<128x128xf32, #tpu.memory_space<vmem>>, %arg7: memref<1x128xf32, #tpu.memory_space<vmem>>, %arg8: memref<1024x128xbf16, #tpu.memory_space<vmem>>, %arg9: memref<8x128xf32, #tpu.memory_space<vmem>>) attributes {dimension_semantics = [#tpu.dimension_semantics<arbitrary>], iteration_bounds = array<i64: 128>, scalar_prefetch = 0 : i64, scratch_operands = 0 : i64, tpu.core_type = #tpu.core_type<tc>, window_params = [{transform_indices = @transform_0, window_bounds = array<i64: 1024, 128>}, {transform_indices = @transform_1, window_bounds = array<i64: 32, 128>}, {pipeline_mode = #tpu.pipeline_mode<synchronous>, transform_indices = @transform_2, window_bounds = array<i64: 4, 8, 128>}, {pipeline_mode = #tpu.pipeline_mode<synchronous>, transform_indices = @transform_3, window_bounds = array<i64: 1, 128>}, {pipeline_mode = #tpu.pipeline_mode<synchronous>, transform_indices = @transform_4, window_bounds = array<i64: 1, 128>}, {pipeline_mode = #tpu.pipeline_mode<synchronous>, transform_indices = @transform_5, window_bounds = array<i64: 128, 128>}, {pipeline_mode = #tpu.pipeline_mode<synchronous>, transform_indices = @transform_6, window_bounds = array<i64: 1, 128>}, {transform_indices = @transform_7, window_bounds = array<i64: 1024, 128>}, {pipeline_mode = #tpu.pipeline_mode<synchronous>, transform_indices = @transform_8, window_bounds = array<i64: 8, 128>}]} {
    %get3A = arith.constant 0 : index
    %get3A_0 = arith.constant 0 : index
    %get3A_1 = arith.constant 0 : index
    %get3A_2 = vector.load %arg3[%get3A, %get3A_0, %get3A_1] : memref<4x8x128xf32, #tpu.memory_space<vmem>>, vector<4x1x128xf32>
    %reduce_sum3A = arith.constant dense<0.000000e+00> : vector<1x128xf32>
    %reduce_sum3A_3 = vector.multi_reduction <add>, %get3A_2, %reduce_sum3A [0] : vector<4x1x128xf32> to vector<1x128xf32>
    %div3A = arith.constant 5.242880e+05 : f32
    %div3A_4 = vector.broadcast %div3A : f32 to vector<1x128xf32>
    %div3A_5 = arith.divf %reduce_sum3A_3, %div3A_4 : vector<1x128xf32>
    %get3A_6 = arith.constant 0 : index
    %get3A_7 = arith.constant 1 : index
    %get3A_8 = arith.constant 0 : index
    %get3A_9 = vector.load %arg3[%get3A_6, %get3A_7, %get3A_8] : memref<4x8x128xf32, #tpu.memory_space<vmem>>, vector<4x1x128xf32>
    %reduce_sum3A_10 = arith.constant dense<0.000000e+00> : vector<1x128xf32>
    %reduce_sum3A_11 = vector.multi_reduction <add>, %get3A_9, %reduce_sum3A_10 [0] : vector<4x1x128xf32> to vector<1x128xf32>
    %div3A_12 = arith.constant 5.242880e+05 : f32
    %div3A_13 = vector.broadcast %div3A_12 : f32 to vector<1x128xf32>
    %div3A_14 = arith.divf %reduce_sum3A_11, %div3A_13 : vector<1x128xf32>
    %mul3A = arith.mulf %div3A_5, %div3A_5 : vector<1x128xf32>
    %sub3A = arith.subf %div3A_14, %mul3A : vector<1x128xf32>
    %max3A = arith.constant 0.000000e+00 : f32
    %max3A_15 = vector.broadcast %max3A : f32 to vector<1x128xf32>
    %max3A_16 = arith.maximumf %sub3A, %max3A_15 : vector<1x128xf32>
    %get3A_17 = arith.constant 0 : index
    %get3A_18 = arith.constant 0 : index
    %get3A_19 = vector.load %arg4[%get3A_17, %get3A_18] : memref<1x128xf32, #tpu.memory_space<vmem>>, vector<1x128xf32>
    %add3A = arith.constant 9.99999974E-6 : f32
    %add3A_20 = vector.broadcast %add3A : f32 to vector<1x128xf32>
    %add3A_21 = arith.addf %max3A_16, %add3A_20 : vector<1x128xf32>
    %rsqrt3A = math.rsqrt %add3A_21 : vector<1x128xf32>
    %mul3A_22 = arith.mulf %get3A_19, %rsqrt3A : vector<1x128xf32>
    %get3A_23 = arith.constant 0 : index
    %get3A_24 = arith.constant 0 : index
    %get3A_25 = vector.load %arg5[%get3A_23, %get3A_24] : memref<1x128xf32, #tpu.memory_space<vmem>>, vector<1x128xf32>
    %mul3A_26 = arith.mulf %div3A_5, %mul3A_22 : vector<1x128xf32>
    %sub3A_27 = arith.subf %get3A_25, %mul3A_26 : vector<1x128xf32>
    %get3A_28 = arith.constant 0 : index
    %get3A_29 = arith.constant 0 : index
    %get3A_30 = vector.load %arg1[%get3A_28, %get3A_29] : memref<1024x128xf32, #tpu.memory_space<vmem>>, vector<1024x128xf32>
    %reshape3A = vector.shape_cast %get3A_30 : vector<1024x128xf32> to vector<32x32x128xf32>
    %get3A_31 = arith.constant 0 : index
    %get3A_32 = arith.constant 0 : index
    %get3A_33 = vector.load %arg2[%get3A_31, %get3A_32] : memref<32x128xf32, #tpu.memory_space<vmem>>, vector<32x128xf32>
    %broadcast_in_dim3A = vector.shape_cast %get3A_33 : vector<32x128xf32> to vector<32x1x128xf32>
    %sub3A_34 = vector.broadcast %broadcast_in_dim3A : vector<32x1x128xf32> to vector<32x32x128xf32>
    %sub3A_35 = arith.subf %reshape3A, %sub3A_34 : vector<32x32x128xf32>
    %reshape3A_36 = vector.shape_cast %sub3A_35 : vector<32x32x128xf32> to vector<1024x128xf32>
    %mul3A_37 = vector.broadcast %mul3A_22 : vector<1x128xf32> to vector<1024x128xf32>
    %mul3A_38 = arith.mulf %reshape3A_36, %mul3A_37 : vector<1024x128xf32>
    %add3A_39 = vector.broadcast %sub3A_27 : vector<1x128xf32> to vector<1024x128xf32>
    %add3A_40 = arith.addf %mul3A_38, %add3A_39 : vector<1024x128xf32>
    %max3A_41 = arith.constant 0.000000e+00 : f32
    %max3A_42 = vector.broadcast %max3A_41 : f32 to vector<1024x128xf32>
    %max3A_43 = arith.maximumf %add3A_40, %max3A_42 : vector<1024x128xf32>
    %get3A_44 = arith.constant 0 : index
    %get3A_45 = arith.constant 0 : index
    %get3A_46 = vector.load %arg6[%get3A_44, %get3A_45] : memref<128x128xf32, #tpu.memory_space<vmem>>, vector<128x128xf32>
    %dot_general3A = arith.constant dense<0.000000e+00> : vector<1024x128xf32>
    %dot_general3A_47 = tpu.matmul %max3A_43, %get3A_46, %dot_general3A {dimension_numbers = #tpu.dot_dimension_numbers<[1], [0], [0], [1], [0, 0, 1, 1], [], []>, transpose_lhs_hint = false} : vector<1024x128xf32>, vector<128x128xf32>, vector<1024x128xf32> -> vector<1024x128xf32>
    %get3A_48 = arith.constant 0 : index
    %get3A_49 = arith.constant 0 : index
    %get3A_50 = vector.load %arg7[%get3A_48, %get3A_49] : memref<1x128xf32, #tpu.memory_space<vmem>>, vector<1x128xf32>
    %add3A_51 = vector.broadcast %get3A_50 : vector<1x128xf32> to vector<1024x128xf32>
    %add3A_52 = arith.addf %dot_general3A_47, %add3A_51 : vector<1024x128xf32>
    %convert_element_type3A = arith.truncf %add3A_52 : vector<1024x128xf32> to vector<1024x128xbf16>
    %swap3A = arith.constant 0 : index
    %swap3A_53 = arith.constant 0 : index
    %swap3A_54 = vector.load %arg8[%swap3A, %swap3A_53] : memref<1024x128xbf16, #tpu.memory_space<vmem>>, vector<1024x128xbf16>
    tpu.vector_store %arg8[%swap3A, %swap3A_53], %convert_element_type3A {strides = array<i32>} : memref<1024x128xbf16, #tpu.memory_space<vmem>>, vector<1024x128xbf16>,
    %reduce_sum3A_55 = arith.constant dense<0.000000e+00> : vector<128xf32>
    %reduce_sum3A_56 = vector.multi_reduction <add>, %add3A_52, %reduce_sum3A_55 [0] : vector<1024x128xf32> to vector<128xf32>
    %mul3A_57 = arith.mulf %add3A_52, %add3A_52 : vector<1024x128xf32>
    %reduce_sum3A_58 = arith.constant dense<0.000000e+00> : vector<128xf32>
    %reduce_sum3A_59 = vector.multi_reduction <add>, %mul3A_57, %reduce_sum3A_58 [0] : vector<1024x128xf32> to vector<128xf32>
    %eq3A = arith.constant 0 : i32
    %eq3A_60 = arith.cmpi eq, %arg0, %eq3A : i32
    %convert_element_type3A_61 = arith.extui %eq3A_60 : i1 to i32
    %cond3A = arith.constant 0 : i32
    %cond3A_62 = arith.cmpi ne, %convert_element_type3A_61, %cond3A : i32
    scf.if %cond3A_62 {
      %broadcast_in_dim3A_74 = arith.constant 0.000000e+00 : f32
      %broadcast_in_dim3A_75 = vector.broadcast %broadcast_in_dim3A_74 : f32 to vector<8x128xf32>
      %swap3A_76 = arith.constant 0 : index
      %swap3A_77 = arith.constant 0 : index
      %swap3A_78 = vector.load %arg9[%swap3A_76, %swap3A_77] : memref<8x128xf32, #tpu.memory_space<vmem>>, vector<8x128xf32>
      tpu.vector_store %arg9[%swap3A_76, %swap3A_77], %broadcast_in_dim3A_75 {strides = array<i32>} : memref<8x128xf32, #tpu.memory_space<vmem>>, vector<8x128xf32>,
    } else {
    }
    %get3A_63 = arith.constant 0 : index
    %get3A_64 = arith.constant 0 : index
    %get3A_65 = vector.load %arg9[%get3A_63, %get3A_64] : memref<8x128xf32, #tpu.memory_space<vmem>>, vector<8x128xf32>
    %broadcast_in_dim3A_66 = vector.shape_cast %reduce_sum3A_56 : vector<128xf32> to vector<1x128xf32>
    %broadcast_in_dim3A_67 = vector.shape_cast %reduce_sum3A_59 : vector<128xf32> to vector<1x128xf32>
    %broadcast_in_dim3A_68 = arith.constant 0.000000e+00 : f32
    %broadcast_in_dim3A_69 = vector.broadcast %broadcast_in_dim3A_68 : f32 to vector<6x128xf32>
    %concatenate3A = tpu.concatenate %broadcast_in_dim3A_66, %broadcast_in_dim3A_67, %broadcast_in_dim3A_69 in 0 : vector<1x128xf32>, vector<1x128xf32>, vector<6x128xf32> -> vector<8x128xf32>
    %add3A_70 = arith.addf %get3A_65, %concatenate3A : vector<8x128xf32>
    %swap3A_71 = arith.constant 0 : index
    %swap3A_72 = arith.constant 0 : index
    %swap3A_73 = vector.load %arg9[%swap3A_71, %swap3A_72] : memref<8x128xf32, #tpu.memory_space<vmem>>, vector<8x128xf32>
    tpu.vector_store %arg9[%swap3A_71, %swap3A_72], %add3A_70 {strides = array<i32>} : memref<8x128xf32, #tpu.memory_space<vmem>>, vector<8x128xf32>,
    return
  }
  func.func @transform_0(%arg0: i32) -> (i32, i32) {
    %c0_i32 = arith.constant 0 : i32
    %c0_i32_0 = arith.constant 0 : i32
    return %arg0, %c0_i32 : i32, i32
  }
  func.func @transform_1(%arg0: i32) -> (i32, i32) {
    %c0_i32 = arith.constant 0 : i32
    %c0_i32_0 = arith.constant 0 : i32
    return %arg0, %c0_i32 : i32, i32
  }
  func.func @transform_2(%arg0: i32) -> (i32, i32, i32) {
    %c0_i32 = arith.constant 0 : i32
    %c0_i32_0 = arith.constant 0 : i32
    %c0_i32_1 = arith.constant 0 : i32
    %c0_i32_2 = arith.constant 0 : i32
    return %c0_i32, %c0_i32_0, %c0_i32_1 : i32, i32, i32
  }
  func.func @transform_3(%arg0: i32) -> (i32, i32) {
    %c0_i32 = arith.constant 0 : i32
    %c0_i32_0 = arith.constant 0 : i32
    %c0_i32_1 = arith.constant 0 : i32
    return %c0_i32, %c0_i32_0 : i32, i32
  }
  func.func @transform_4(%arg0: i32) -> (i32, i32) {
    %c0_i32 = arith.constant 0 : i32
    %c0_i32_0 = arith.constant 0 : i32
    %c0_i32_1 = arith.constant 0 : i32
    return %c0_i32, %c0_i32_0 : i32, i32
  }
  func.func @transform_5(%arg0: i32) -> (i32, i32) {
    %c0_i32 = arith.constant 0 : i32
    %c0_i32_0 = arith.constant 0 : i32
    %c0_i32_1 = arith.constant 0 : i32
    return %c0_i32, %c0_i32_0 : i32, i32
  }
  func.func @transform_6(%arg0: i32) -> (i32, i32) {
    %c0_i32 = arith.constant 0 : i32
    %c0_i32_0 = arith.constant 0 : i32
    %c0_i32_1 = arith.constant 0 : i32
    return %c0_i32, %c0_i32_0 : i32, i32
  }
  func.func @transform_7(%arg0: i32) -> (i32, i32) {
    %c0_i32 = arith.constant 0 : i32
    %c0_i32_0 = arith.constant 0 : i32
    return %arg0, %c0_i32 : i32, i32
  }
  func.func @transform_8(%arg0: i32) -> (i32, i32) {
    %c0_i32 = arith.constant 0 : i32
    %c0_i32_0 = arith.constant 0 : i32
    %c0_i32_1 = arith.constant 0 : i32
    return %c0_i32, %c0_i32_0 : i32, i32
  }
}

module attributes {stable_mosaic.version = 14 : i64} {
  func.func @_mlp3_body(%arg0: i32, %arg1: memref<1024x128xbf16, #tpu.memory_space<vmem>>, %arg2: memref<4x8x128xf32, #tpu.memory_space<vmem>>, %arg3: memref<1x128xf32, #tpu.memory_space<vmem>>, %arg4: memref<1x128xf32, #tpu.memory_space<vmem>>, %arg5: memref<128x256xf32, #tpu.memory_space<vmem>>, %arg6: memref<1x256xf32, #tpu.memory_space<vmem>>, %arg7: memref<32x256xf32, #tpu.memory_space<vmem>>, %arg8: memref<32x256xf32, #tpu.memory_space<vmem>>, %arg9: memref<8x256xf32, #tpu.memory_space<vmem>>) attributes {dimension_semantics = [#tpu.dimension_semantics<arbitrary>], iteration_bounds = array<i64: 128>, scalar_prefetch = 0 : i64, scratch_operands = 0 : i64, tpu.core_type = #tpu.core_type<tc>, window_params = [{transform_indices = @transform_0, window_bounds = array<i64: 1024, 128>}, {pipeline_mode = #tpu.pipeline_mode<synchronous>, transform_indices = @transform_1, window_bounds = array<i64: 4, 8, 128>}, {pipeline_mode = #tpu.pipeline_mode<synchronous>, transform_indices = @transform_2, window_bounds = array<i64: 1, 128>}, {pipeline_mode = #tpu.pipeline_mode<synchronous>, transform_indices = @transform_3, window_bounds = array<i64: 1, 128>}, {pipeline_mode = #tpu.pipeline_mode<synchronous>, transform_indices = @transform_4, window_bounds = array<i64: 128, 256>}, {pipeline_mode = #tpu.pipeline_mode<synchronous>, transform_indices = @transform_5, window_bounds = array<i64: 1, 256>}, {transform_indices = @transform_6, window_bounds = array<i64: 32, 256>}, {transform_indices = @transform_7, window_bounds = array<i64: 32, 256>}, {pipeline_mode = #tpu.pipeline_mode<synchronous>, transform_indices = @transform_8, window_bounds = array<i64: 8, 256>}]} {
    %get3A = arith.constant 0 : index
    %get3A_0 = arith.constant 0 : index
    %get3A_1 = arith.constant 0 : index
    %get3A_2 = vector.load %arg2[%get3A, %get3A_0, %get3A_1] : memref<4x8x128xf32, #tpu.memory_space<vmem>>, vector<4x1x128xf32>
    %reduce_sum3A = arith.constant dense<0.000000e+00> : vector<1x128xf32>
    %reduce_sum3A_3 = vector.multi_reduction <add>, %get3A_2, %reduce_sum3A [0] : vector<4x1x128xf32> to vector<1x128xf32>
    %div3A = arith.constant 5.242880e+05 : f32
    %div3A_4 = vector.broadcast %div3A : f32 to vector<1x128xf32>
    %div3A_5 = arith.divf %reduce_sum3A_3, %div3A_4 : vector<1x128xf32>
    %get3A_6 = arith.constant 0 : index
    %get3A_7 = arith.constant 1 : index
    %get3A_8 = arith.constant 0 : index
    %get3A_9 = vector.load %arg2[%get3A_6, %get3A_7, %get3A_8] : memref<4x8x128xf32, #tpu.memory_space<vmem>>, vector<4x1x128xf32>
    %reduce_sum3A_10 = arith.constant dense<0.000000e+00> : vector<1x128xf32>
    %reduce_sum3A_11 = vector.multi_reduction <add>, %get3A_9, %reduce_sum3A_10 [0] : vector<4x1x128xf32> to vector<1x128xf32>
    %div3A_12 = arith.constant 5.242880e+05 : f32
    %div3A_13 = vector.broadcast %div3A_12 : f32 to vector<1x128xf32>
    %div3A_14 = arith.divf %reduce_sum3A_11, %div3A_13 : vector<1x128xf32>
    %mul3A = arith.mulf %div3A_5, %div3A_5 : vector<1x128xf32>
    %sub3A = arith.subf %div3A_14, %mul3A : vector<1x128xf32>
    %max3A = arith.constant 0.000000e+00 : f32
    %max3A_15 = vector.broadcast %max3A : f32 to vector<1x128xf32>
    %max3A_16 = arith.maximumf %sub3A, %max3A_15 : vector<1x128xf32>
    %get3A_17 = arith.constant 0 : index
    %get3A_18 = arith.constant 0 : index
    %get3A_19 = vector.load %arg3[%get3A_17, %get3A_18] : memref<1x128xf32, #tpu.memory_space<vmem>>, vector<1x128xf32>
    %add3A = arith.constant 9.99999974E-6 : f32
    %add3A_20 = vector.broadcast %add3A : f32 to vector<1x128xf32>
    %add3A_21 = arith.addf %max3A_16, %add3A_20 : vector<1x128xf32>
    %rsqrt3A = math.rsqrt %add3A_21 : vector<1x128xf32>
    %mul3A_22 = arith.mulf %get3A_19, %rsqrt3A : vector<1x128xf32>
    %get3A_23 = arith.constant 0 : index
    %get3A_24 = arith.constant 0 : index
    %get3A_25 = vector.load %arg4[%get3A_23, %get3A_24] : memref<1x128xf32, #tpu.memory_space<vmem>>, vector<1x128xf32>
    %mul3A_26 = arith.mulf %div3A_5, %mul3A_22 : vector<1x128xf32>
    %sub3A_27 = arith.subf %get3A_25, %mul3A_26 : vector<1x128xf32>
    %get3A_28 = arith.constant 0 : index
    %get3A_29 = arith.constant 0 : index
    %get3A_30 = vector.load %arg1[%get3A_28, %get3A_29] : memref<1024x128xbf16, #tpu.memory_space<vmem>>, vector<1024x128xbf16>
    %convert_element_type3A = arith.extf %get3A_30 : vector<1024x128xbf16> to vector<1024x128xf32>
    %mul3A_31 = vector.broadcast %mul3A_22 : vector<1x128xf32> to vector<1024x128xf32>
    %mul3A_32 = arith.mulf %convert_element_type3A, %mul3A_31 : vector<1024x128xf32>
    %add3A_33 = vector.broadcast %sub3A_27 : vector<1x128xf32> to vector<1024x128xf32>
    %add3A_34 = arith.addf %mul3A_32, %add3A_33 : vector<1024x128xf32>
    %max3A_35 = arith.constant 0.000000e+00 : f32
    %max3A_36 = vector.broadcast %max3A_35 : f32 to vector<1024x128xf32>
    %max3A_37 = arith.maximumf %add3A_34, %max3A_36 : vector<1024x128xf32>
    %get3A_38 = arith.constant 0 : index
    %get3A_39 = arith.constant 0 : index
    %get3A_40 = vector.load %arg5[%get3A_38, %get3A_39] : memref<128x256xf32, #tpu.memory_space<vmem>>, vector<128x256xf32>
    %dot_general3A = arith.constant dense<0.000000e+00> : vector<1024x256xf32>
    %dot_general3A_41 = tpu.matmul %max3A_37, %get3A_40, %dot_general3A {dimension_numbers = #tpu.dot_dimension_numbers<[1], [0], [0], [1], [0, 0, 1, 1], [], []>, transpose_lhs_hint = false} : vector<1024x128xf32>, vector<128x256xf32>, vector<1024x256xf32> -> vector<1024x256xf32>
    %get3A_42 = arith.constant 0 : index
    %get3A_43 = arith.constant 0 : index
    %get3A_44 = vector.load %arg6[%get3A_42, %get3A_43] : memref<1x256xf32, #tpu.memory_space<vmem>>, vector<1x256xf32>
    %add3A_45 = vector.broadcast %get3A_44 : vector<1x256xf32> to vector<1024x256xf32>
    %add3A_46 = arith.addf %dot_general3A_41, %add3A_45 : vector<1024x256xf32>
    %reduce_sum3A_47 = arith.constant dense<0.000000e+00> : vector<256xf32>
    %reduce_sum3A_48 = vector.multi_reduction <add>, %add3A_46, %reduce_sum3A_47 [0] : vector<1024x256xf32> to vector<256xf32>
    %mul3A_49 = arith.mulf %add3A_46, %add3A_46 : vector<1024x256xf32>
    %reduce_sum3A_50 = arith.constant dense<0.000000e+00> : vector<256xf32>
    %reduce_sum3A_51 = vector.multi_reduction <add>, %mul3A_49, %reduce_sum3A_50 [0] : vector<1024x256xf32> to vector<256xf32>
    %reshape3A = vector.shape_cast %add3A_46 : vector<1024x256xf32> to vector<32x32x256xf32>
    %reduce_max3A = arith.constant dense<0xFF800000> : vector<32x256xf32>
    %reduce_max3A_52 = vector.multi_reduction <maximumf>, %reshape3A, %reduce_max3A [1] : vector<32x32x256xf32> to vector<32x256xf32>
    %swap3A = arith.constant 0 : index
    %swap3A_53 = arith.constant 0 : index
    %swap3A_54 = vector.load %arg7[%swap3A, %swap3A_53] : memref<32x256xf32, #tpu.memory_space<vmem>>, vector<32x256xf32>
    tpu.vector_store %arg7[%swap3A, %swap3A_53], %reduce_max3A_52 {strides = array<i32>} : memref<32x256xf32, #tpu.memory_space<vmem>>, vector<32x256xf32>,
    %reduce_min3A = arith.constant dense<0x7F800000> : vector<32x256xf32>
    %reduce_min3A_55 = vector.multi_reduction <minimumf>, %reshape3A, %reduce_min3A [1] : vector<32x32x256xf32> to vector<32x256xf32>
    %swap3A_56 = arith.constant 0 : index
    %swap3A_57 = arith.constant 0 : index
    %swap3A_58 = vector.load %arg8[%swap3A_56, %swap3A_57] : memref<32x256xf32, #tpu.memory_space<vmem>>, vector<32x256xf32>
    tpu.vector_store %arg8[%swap3A_56, %swap3A_57], %reduce_min3A_55 {strides = array<i32>} : memref<32x256xf32, #tpu.memory_space<vmem>>, vector<32x256xf32>,
    %eq3A = arith.constant 0 : i32
    %eq3A_59 = arith.cmpi eq, %arg0, %eq3A : i32
    %convert_element_type3A_60 = arith.extui %eq3A_59 : i1 to i32
    %cond3A = arith.constant 0 : i32
    %cond3A_61 = arith.cmpi ne, %convert_element_type3A_60, %cond3A : i32
    scf.if %cond3A_61 {
      %broadcast_in_dim3A_72 = arith.constant 0.000000e+00 : f32
      %broadcast_in_dim3A_73 = vector.broadcast %broadcast_in_dim3A_72 : f32 to vector<8x256xf32>
      %swap3A_74 = arith.constant 0 : index
      %swap3A_75 = arith.constant 0 : index
      %swap3A_76 = vector.load %arg9[%swap3A_74, %swap3A_75] : memref<8x256xf32, #tpu.memory_space<vmem>>, vector<8x256xf32>
      tpu.vector_store %arg9[%swap3A_74, %swap3A_75], %broadcast_in_dim3A_73 {strides = array<i32>} : memref<8x256xf32, #tpu.memory_space<vmem>>, vector<8x256xf32>,
    } else {
    }
    %get3A_62 = arith.constant 0 : index
    %get3A_63 = arith.constant 0 : index
    %get3A_64 = vector.load %arg9[%get3A_62, %get3A_63] : memref<8x256xf32, #tpu.memory_space<vmem>>, vector<8x256xf32>
    %broadcast_in_dim3A = vector.shape_cast %reduce_sum3A_48 : vector<256xf32> to vector<1x256xf32>
    %broadcast_in_dim3A_65 = vector.shape_cast %reduce_sum3A_51 : vector<256xf32> to vector<1x256xf32>
    %broadcast_in_dim3A_66 = arith.constant 0.000000e+00 : f32
    %broadcast_in_dim3A_67 = vector.broadcast %broadcast_in_dim3A_66 : f32 to vector<6x256xf32>
    %concatenate3A = tpu.concatenate %broadcast_in_dim3A, %broadcast_in_dim3A_65, %broadcast_in_dim3A_67 in 0 : vector<1x256xf32>, vector<1x256xf32>, vector<6x256xf32> -> vector<8x256xf32>
    %add3A_68 = arith.addf %get3A_64, %concatenate3A : vector<8x256xf32>
    %swap3A_69 = arith.constant 0 : index
    %swap3A_70 = arith.constant 0 : index
    %swap3A_71 = vector.load %arg9[%swap3A_69, %swap3A_70] : memref<8x256xf32, #tpu.memory_space<vmem>>, vector<8x256xf32>
    tpu.vector_store %arg9[%swap3A_69, %swap3A_70], %add3A_68 {strides = array<i32>} : memref<8x256xf32, #tpu.memory_space<vmem>>, vector<8x256xf32>,
    return
  }
  func.func @transform_0(%arg0: i32) -> (i32, i32) {
    %c0_i32 = arith.constant 0 : i32
    %c0_i32_0 = arith.constant 0 : i32
    return %arg0, %c0_i32 : i32, i32
  }
  func.func @transform_1(%arg0: i32) -> (i32, i32, i32) {
    %c0_i32 = arith.constant 0 : i32
    %c0_i32_0 = arith.constant 0 : i32
    %c0_i32_1 = arith.constant 0 : i32
    %c0_i32_2 = arith.constant 0 : i32
    return %c0_i32, %c0_i32_0, %c0_i32_1 : i32, i32, i32
  }
  func.func @transform_2(%arg0: i32) -> (i32, i32) {
    %c0_i32 = arith.constant 0 : i32
    %c0_i32_0 = arith.constant 0 : i32
    %c0_i32_1 = arith.constant 0 : i32
    return %c0_i32, %c0_i32_0 : i32, i32
  }
  func.func @transform_3(%arg0: i32) -> (i32, i32) {
    %c0_i32 = arith.constant 0 : i32
    %c0_i32_0 = arith.constant 0 : i32
    %c0_i32_1 = arith.constant 0 : i32
    return %c0_i32, %c0_i32_0 : i32, i32
  }
  func.func @transform_4(%arg0: i32) -> (i32, i32) {
    %c0_i32 = arith.constant 0 : i32
    %c0_i32_0 = arith.constant 0 : i32
    %c0_i32_1 = arith.constant 0 : i32
    return %c0_i32, %c0_i32_0 : i32, i32
  }
  func.func @transform_5(%arg0: i32) -> (i32, i32) {
    %c0_i32 = arith.constant 0 : i32
    %c0_i32_0 = arith.constant 0 : i32
    %c0_i32_1 = arith.constant 0 : i32
    return %c0_i32, %c0_i32_0 : i32, i32
  }
  func.func @transform_6(%arg0: i32) -> (i32, i32) {
    %c0_i32 = arith.constant 0 : i32
    %c0_i32_0 = arith.constant 0 : i32
    return %arg0, %c0_i32 : i32, i32
  }
  func.func @transform_7(%arg0: i32) -> (i32, i32) {
    %c0_i32 = arith.constant 0 : i32
    %c0_i32_0 = arith.constant 0 : i32
    return %arg0, %c0_i32 : i32, i32
  }
  func.func @transform_8(%arg0: i32) -> (i32, i32) {
    %c0_i32 = arith.constant 0 : i32
    %c0_i32_0 = arith.constant 0 : i32
    %c0_i32_1 = arith.constant 0 : i32
    return %c0_i32, %c0_i32_0 : i32, i32
  }
}

module attributes {stable_mosaic.version = 14 : i64} {
  func.func @_final_body(%arg0: i32, %arg1: memref<2048x256xf32, #tpu.memory_space<vmem>>, %arg2: memref<2048x256xf32, #tpu.memory_space<vmem>>, %arg3: memref<4x8x256xf32, #tpu.memory_space<vmem>>, %arg4: memref<1x256xf32, #tpu.memory_space<vmem>>, %arg5: memref<1x256xf32, #tpu.memory_space<vmem>>, %arg6: memref<2048x256xf32, #tpu.memory_space<vmem>>) attributes {dimension_semantics = [#tpu.dimension_semantics<arbitrary>], iteration_bounds = array<i64: 2>, scalar_prefetch = 0 : i64, scratch_operands = 0 : i64, tpu.core_type = #tpu.core_type<tc>, window_params = [{transform_indices = @transform_0, window_bounds = array<i64: 2048, 256>}, {transform_indices = @transform_1, window_bounds = array<i64: 2048, 256>}, {pipeline_mode = #tpu.pipeline_mode<synchronous>, transform_indices = @transform_2, window_bounds = array<i64: 4, 8, 256>}, {pipeline_mode = #tpu.pipeline_mode<synchronous>, transform_indices = @transform_3, window_bounds = array<i64: 1, 256>}, {pipeline_mode = #tpu.pipeline_mode<synchronous>, transform_indices = @transform_4, window_bounds = array<i64: 1, 256>}, {transform_indices = @transform_5, window_bounds = array<i64: 2048, 256>}]} {
    %get3A = arith.constant 0 : index
    %get3A_0 = arith.constant 0 : index
    %get3A_1 = arith.constant 0 : index
    %get3A_2 = vector.load %arg3[%get3A, %get3A_0, %get3A_1] : memref<4x8x256xf32, #tpu.memory_space<vmem>>, vector<4x1x256xf32>
    %reduce_sum3A = arith.constant dense<0.000000e+00> : vector<1x256xf32>
    %reduce_sum3A_3 = vector.multi_reduction <add>, %get3A_2, %reduce_sum3A [0] : vector<4x1x256xf32> to vector<1x256xf32>
    %div3A = arith.constant 5.242880e+05 : f32
    %div3A_4 = vector.broadcast %div3A : f32 to vector<1x256xf32>
    %div3A_5 = arith.divf %reduce_sum3A_3, %div3A_4 : vector<1x256xf32>
    %get3A_6 = arith.constant 0 : index
    %get3A_7 = arith.constant 1 : index
    %get3A_8 = arith.constant 0 : index
    %get3A_9 = vector.load %arg3[%get3A_6, %get3A_7, %get3A_8] : memref<4x8x256xf32, #tpu.memory_space<vmem>>, vector<4x1x256xf32>
    %reduce_sum3A_10 = arith.constant dense<0.000000e+00> : vector<1x256xf32>
    %reduce_sum3A_11 = vector.multi_reduction <add>, %get3A_9, %reduce_sum3A_10 [0] : vector<4x1x256xf32> to vector<1x256xf32>
    %div3A_12 = arith.constant 5.242880e+05 : f32
    %div3A_13 = vector.broadcast %div3A_12 : f32 to vector<1x256xf32>
    %div3A_14 = arith.divf %reduce_sum3A_11, %div3A_13 : vector<1x256xf32>
    %mul3A = arith.mulf %div3A_5, %div3A_5 : vector<1x256xf32>
    %sub3A = arith.subf %div3A_14, %mul3A : vector<1x256xf32>
    %max3A = arith.constant 0.000000e+00 : f32
    %max3A_15 = vector.broadcast %max3A : f32 to vector<1x256xf32>
    %max3A_16 = arith.maximumf %sub3A, %max3A_15 : vector<1x256xf32>
    %get3A_17 = arith.constant 0 : index
    %get3A_18 = arith.constant 0 : index
    %get3A_19 = vector.load %arg4[%get3A_17, %get3A_18] : memref<1x256xf32, #tpu.memory_space<vmem>>, vector<1x256xf32>
    %add3A = arith.constant 9.99999974E-6 : f32
    %add3A_20 = vector.broadcast %add3A : f32 to vector<1x256xf32>
    %add3A_21 = arith.addf %max3A_16, %add3A_20 : vector<1x256xf32>
    %rsqrt3A = math.rsqrt %add3A_21 : vector<1x256xf32>
    %mul3A_22 = arith.mulf %get3A_19, %rsqrt3A : vector<1x256xf32>
    %get3A_23 = arith.constant 0 : index
    %get3A_24 = arith.constant 0 : index
    %get3A_25 = vector.load %arg5[%get3A_23, %get3A_24] : memref<1x256xf32, #tpu.memory_space<vmem>>, vector<1x256xf32>
    %mul3A_26 = arith.mulf %div3A_5, %mul3A_22 : vector<1x256xf32>
    %sub3A_27 = arith.subf %get3A_25, %mul3A_26 : vector<1x256xf32>
    %gt3A = arith.constant 0.000000e+00 : f32
    %gt3A_28 = vector.broadcast %gt3A : f32 to vector<1x256xf32>
    %gt3A_29 = arith.cmpf ogt, %mul3A_22, %gt3A_28 : vector<1x256xf32>
    %get3A_30 = arith.constant 0 : index
    %get3A_31 = arith.constant 0 : index
    %get3A_32 = vector.load %arg1[%get3A_30, %get3A_31] : memref<2048x256xf32, #tpu.memory_space<vmem>>, vector<2048x256xf32>
    %get3A_33 = arith.constant 0 : index
    %get3A_34 = arith.constant 0 : index
    %get3A_35 = vector.load %arg2[%get3A_33, %get3A_34] : memref<2048x256xf32, #tpu.memory_space<vmem>>, vector<2048x256xf32>
    %broadcast_in_dim3A = vector.shape_cast %gt3A_29 : vector<1x256xi1> to vector<1x256xi1>
    %broadcast_in_dim3A_36 = vector.broadcast %broadcast_in_dim3A : vector<1x256xi1> to vector<2048x256xi1>
    %select_n3A = arith.select %broadcast_in_dim3A_36, %get3A_32, %get3A_35 : vector<2048x256xi1>, vector<2048x256xf32>
    %mul3A_37 = vector.broadcast %mul3A_22 : vector<1x256xf32> to vector<2048x256xf32>
    %mul3A_38 = arith.mulf %select_n3A, %mul3A_37 : vector<2048x256xf32>
    %add3A_39 = vector.broadcast %sub3A_27 : vector<1x256xf32> to vector<2048x256xf32>
    %add3A_40 = arith.addf %mul3A_38, %add3A_39 : vector<2048x256xf32>
    %max3A_41 = arith.constant 0.000000e+00 : f32
    %max3A_42 = vector.broadcast %max3A_41 : f32 to vector<2048x256xf32>
    %max3A_43 = arith.maximumf %add3A_40, %max3A_42 : vector<2048x256xf32>
    %swap3A = arith.constant 0 : index
    %swap3A_44 = arith.constant 0 : index
    %swap3A_45 = vector.load %arg6[%swap3A, %swap3A_44] : memref<2048x256xf32, #tpu.memory_space<vmem>>, vector<2048x256xf32>
    tpu.vector_store %arg6[%swap3A, %swap3A_44], %max3A_43 {strides = array<i32>} : memref<2048x256xf32, #tpu.memory_space<vmem>>, vector<2048x256xf32>,
    return
  }
  func.func @transform_0(%arg0: i32) -> (i32, i32) {
    %c0_i32 = arith.constant 0 : i32
    %c0_i32_0 = arith.constant 0 : i32
    return %arg0, %c0_i32 : i32, i32
  }
  func.func @transform_1(%arg0: i32) -> (i32, i32) {
    %c0_i32 = arith.constant 0 : i32
    %c0_i32_0 = arith.constant 0 : i32
    return %arg0, %c0_i32 : i32, i32
  }
  func.func @transform_2(%arg0: i32) -> (i32, i32, i32) {
    %c0_i32 = arith.constant 0 : i32
    %c0_i32_0 = arith.constant 0 : i32
    %c0_i32_1 = arith.constant 0 : i32
    %c0_i32_2 = arith.constant 0 : i32
    return %c0_i32, %c0_i32_0, %c0_i32_1 : i32, i32, i32
  }
  func.func @transform_3(%arg0: i32) -> (i32, i32) {
    %c0_i32 = arith.constant 0 : i32
    %c0_i32_0 = arith.constant 0 : i32
    %c0_i32_1 = arith.constant 0 : i32
    return %c0_i32, %c0_i32_0 : i32, i32
  }
  func.func @transform_4(%arg0: i32) -> (i32, i32) {
    %c0_i32 = arith.constant 0 : i32
    %c0_i32_0 = arith.constant 0 : i32
    %c0_i32_1 = arith.constant 0 : i32
    return %c0_i32, %c0_i32_0 : i32, i32
  }
  func.func @transform_5(%arg0: i32) -> (i32, i32) {
    %c0_i32 = arith.constant 0 : i32
    %c0_i32_0 = arith.constant 0 : i32
    return %arg0, %c0_i32 : i32, i32
  }
}

</mosaic_0001>

<sc_bundles>
// kernel: kernel.28.cloned.1.call-start
scs
__scs_entry_jumppad:
0x0: {  	(pc) =	sbr.rel $0x88, $3  }
0x1: {  	(tag) =	ssettag $0x0;
	lr =	simm.s32 $0x1  }
0x2: {  	[smem:$0x3F92] =	sst lr;
	_ =	strace $0xD0000000  }
0x3: {  	_ = 	snop  }
0x4: {  	_ = 	snop  }
0x5: {  	_ = 	snop  }
0x6: {  	_ = 	snop  }
0x7: {  	_ = 	snop  }
__scs_overlays_trampoline_lowered:
0x8: {  	[smem:$0x3FA1] =	sst s0  }
0x9: {  	[smem:$0x3FA2] =	sst s1  }
0xa: {  	[smem:$0x3FA3] =	sst s2  }
0xb: {  	[smem:$0x3FA4] =	sst s3  }
0xc: {  	[smem:$0x3FA5] =	sst s4  }
0xd: {  	[smem:$0x3FA6] =	sst s5  }
0xe: {  	[smem:$0x3FA7] =	sst s6  }
0xf: {  	[smem:$0x3FA8] =	sst s7  }
0x10: {  	[smem:$0x3FA9] =	sst s8  }
0x11: {  	[smem:$0x3FAA] =	sst s9;
	s0 =	simm.s32 @!p0 $0x0  }
0x12: {  	s1 =	sld [smem:$0x3F90];
	s0 =	simm.s32 @p0 $0x1  }
0x13: {  	[smem:$0x3FAB] =	sst s0;
	s0 =	simm.s32 @!p1 $0x0  }
0x14: {  	s2 =	sld [smem:$0x3F8F];
	s0 =	simm.s32 @p1 $0x1  }
0x15: {  	[smem:$0x3FAC] =	sst s0;
	s0 =	simm.s32 @!p2 $0x0  }
0x16: {  	s3 =	sld [smem:$0x3FDB];
	s0 =	simm.s32 @p2 $0x1  }
0x17: {  	s4 =	simm.s32 $0x1BF5;
	[smem:$0x3FAE] =	sst s0  }
0x18: {  	s0 =	sld [smem:$0x3F91];
	_ =	swait.ge [sflag:s4], $0x0  }
0x19: {  	s7 =	sld [smem:$0x3F92]  }
0x1a: {  	s8 =	sadd.s32 $0xFFFFE003, lr  }
0x1b: {  	s9 =	sadd.s32 $0xFFFFFEF7, lr;
	s5 =	simm.s32 $0xFFFFFFFF;
	p2 =	slt.u32 s8, $0xFFFFF086  }
0x1c: {  	p1 =	slt.u32 s9, $0xF7A;
	s5 =	simm.s32 @!p2 $0x0  }
0x1d: {  	s5 =	simm.s32 @p1 $0x1;
	p0 =	seq.s32 s7, s2  }
0x1e: {  	s7 =	smul.u32 @!p0 $0xF7A, s2;
	p2 =	seq.s32 @!p0 s5, $0x0  }
0x1f: {  	s9 =	smul.u32 $0xF7A, s1;
	s8 =	simm.s32 @!p0 $0x1BF5;
	p2 =	por !p2, p0  }
0x20: {  	[sflag:s8] =	ssyncset.s32 @!p0 $0xFFFFF086;
	s6 =	sadd.s32 @!p0 s3, s7;
	s7 =	simm.s32 @!p0 $0x108  }
0x21: {  	s3 =	sadd.s32 s3, s9;
	s6 =	sadd.s32 @!p0 $0x88, s6;
	s7 =	simm.s32 @p2 $0x1082  }
0x22: {  	[simem:s7], [sflag:s8] =	dma.local @!p0 [hbm:s6], $0xF7A  }
0x23: {  	s9 =	sor.u32 $0xD0000000, s2;
	s6 =	simm.s32 $0x108;
	_ =	swait.ge @!p0 [sflag:s8], $0x0  }
0x24: {  	s3 =	sadd.s32 $0x88, s3;
	s6 =	simm.s32 @!p1 $0x1082;
	[sflag:s4] =	ssyncset.s32 $0xFFFFF086  }
0x25: {  	[simem:s6], [sflag:s4] =	dma.local [hbm:s3], $0xF7A  }
0x26: {  	[smem:$0x3F92] =	sst s1;
	(tag) =	ssettag s2;
	_ =	strace s9  }
0x27: {  	s1 =	sld [smem:$0x3FA2]  }
0x28: {  	s2 =	sld [smem:$0x3FA3]  }
0x29: {  	s4 =	sld [smem:$0x3FA5]  }
0x2a: {  	p0 =	seq.s32 s5, $0x0;
	s5 =	sld [smem:$0x3FA6]  }
0x2b: {  	s6 =	sld [smem:$0x3FA7]  }
0x2c: {  	s7 =	sld [smem:$0x3FA8]  }
0x2d: {  	s3 =	simm.s32 $0x108;
	s8 =	sld [smem:$0x3FA9]  }
0x2e: {  	s3 =	simm.s32 @!p0 $0x1082;
	s9 =	sld [smem:$0x3FAA]  }
0x2f: {  	lr =	sadd.s32 s0, s3;
	s0 =	sld [smem:$0x3FA1]  }
0x30: {  	s3 =	sld [smem:$0x3FA4]  }
0x31: {  	[smem:$0x3FAD] =	sst s10  }
0x32: {  	s10 =	sld [smem:$0x3FAB];
	_ =	sdelay $0x3  }
0x33: {  	p0 =	seq.s32 s10, $0x1;
	s10 =	sld [smem:$0x3FAD];
	_ =	sdelay $0x3  }
0x34: {  	[smem:$0x3FAD] =	sst s10  }
0x35: {  	s10 =	sld [smem:$0x3FAC];
	_ =	sdelay $0x3  }
0x36: {  	p1 =	seq.s32 s10, $0x1;
	s10 =	sld [smem:$0x3FAD];
	_ =	sdelay $0x3  }
0x37: {  	[smem:$0x3FAD] =	sst s10  }
0x38: {  	s10 =	sld [smem:$0x3FAE]  }
0x39: {  	_ = 	snop;
	(pc) =	sbr.ind lr, $3  }
0x3a: {  	_ = 	snop  }
0x3b: {  	_ = 	snop  }
0x3c: {  	p2 =	seq.s32 s10, $0x1;
	s10 =	sld [smem:$0x3FAD]  }
0x3d: {  	_ =	shalt  }
0x3e: {  	_ =	shalt  }
0x3f: {  	_ =	shalt  }
0x40: {  	_ =	shalt  }
0x41: {  	_ =	shalt  }
0x42: {  	_ =	shalt  }
0x43: {  	_ =	shalt  }
0x44: {  	_ =	shalt  }
0x45: {  	_ =	shalt  }
0x46: {  	_ =	shalt  }
0x47: {  	_ =	shalt  }
0x48: {  	_ =	shalt  }
0x49: {  	_ =	shalt  }
0x4a: {  	_ =	shalt  }
0x4b: {  	_ =	shalt  }
0x4c: {  	_ =	shalt  }
0x4d: {  	_ =	shalt  }
0x4e: {  	_ =	shalt  }
0x4f: {  	_ =	shalt  }
0x50: {  	_ =	shalt  }
0x51: {  	_ =	shalt  }
0x52: {  	_ =	shalt  }
0x53: {  	_ =	shalt  }
0x54: {  	_ =	shalt  }
0x55: {  	_ =	shalt  }
0x56: {  	_ =	shalt  }
0x57: {  	_ =	shalt  }
0x58: {  	_ =	shalt  }
0x59: {  	_ =	shalt  }
0x5a: {  	_ =	shalt  }
0x5b: {  	_ =	shalt  }
0x5c: {  	_ =	shalt  }
0x5d: {  	_ =	shalt  }
0x5e: {  	_ =	shalt  }
0x5f: {  	_ =	shalt  }
0x60: {  	_ =	shalt  }
0x61: {  	_ =	shalt  }
0x62: {  	_ =	shalt  }
0x63: {  	_ =	shalt  }
0x64: {  	_ =	shalt  }
0x65: {  	_ =	shalt  }
0x66: {  	_ =	shalt  }
0x67: {  	_ =	shalt  }
0x68: {  	_ =	shalt  }
0x69: {  	_ =	shalt  }
0x6a: {  	_ =	shalt  }
0x6b: {  	_ =	shalt  }
0x6c: {  	_ =	shalt  }
0x6d: {  	_ =	shalt  }
0x6e: {  	_ =	shalt  }
0x6f: {  	_ =	shalt  }
0x70: {  	_ =	shalt  }
0x71: {  	_ =	shalt  }
0x72: {  	_ =	shalt  }
0x73: {  	_ =	shalt  }
0x74: {  	_ =	shalt  }
0x75: {  	_ =	shalt  }
0x76: {  	_ =	shalt  }
0x77: {  	_ =	shalt  }
0x78: {  	_ =	shalt  }
0x79: {  	_ =	shalt  }
0x7a: {  	_ =	shalt  }
0x7b: {  	_ =	shalt  }
0x7c: {  	_ =	shalt  }
0x7d: {  	_ =	shalt  }
0x7e: {  	_ =	shalt  }
0x7f: {  	_ =	shalt  }
0x80: {  	_ =	shalt  }
0x81: {  	_ =	shalt  }
0x82: {  	_ =	shalt  }
0x83: {  	_ =	shalt  }
0x84: {  	_ =	shalt  }
0x85: {  	_ =	shalt  }
0x86: {  	_ =	shalt  }
0x87: {  	_ =	shalt  }
.Lfunc_end0:
.L_simem_size_0:
called_computation_lowered:
.L_overlay_start_0:
0x88: {  	s2 =	sld [smem:$0x3FD9]  }
0x89: {  	s3 =	sld [smem:$0x3FFE];
	_ =	sdelay $0x1  }
0x8a: {  	s1 =	srdreg.scid  }
0x8b: {  	s0 =	sand.u32 $0x1, s1  }
0x8c: {  	s14 =	sshll.u32 s0, $0xA;
	s2 =	sadd.s32 s3, s2  }
0x8d: {  	s2 =	sadd.s32 s2, s14  }
0x8e: {  	[smem:$0x3FB9] =	sst s2  }
0x8f: {  	_ = 	snop  }
0x90: {  	s2 =	sld [smem:$0x3FD0];
	_ =	sdelay $0x2  }
0x91: {  	s15 =	simm.s32 $0xD;
	s4 =	simm.s32 $0x10  }
0x92: {  	[smem:s4], [sflag:s15] =	dma.local [hbm:s2], $0x1  }
0x93: {  	_ =	swait.eq [sflag:s15], $0x1  }
0x94: {  	[sflag:s15] =	ssyncset.done $0x0  }
0x95: {  	s16 =	sld [smem:$0x11];
	[sflag:s15] =	ssyncadd.s32 $0xFFFFFFFF  }
0x96: {  	s17 =	sld [smem:$0x12];
	(tm) =	ssettm $0x1  }
0x97: {  	s18 =	sld [smem:$0x3FFB];
	_ =	sdelay $0x3  }
0x98: {  	_ =	strace s18  }
0x99: {  	s4 =	sld [smem:$0x3FFC];
	_ =	sdelay $0x3  }
0x9a: {  	_ =	strace s4  }
0x9b: {  	s4 =	sld [smem:$0x3FFD];
	_ =	sdelay $0x3  }
0x9c: {  	_ =	strace s4  }
0x9d: {  	_ =	strace $0x8FFFFFFF  }
0x9e: {  	s19 =	sld [smem:$0x3FDB];
	_ =	sdelay $0x1  }
0x9f: {  	s5 =	simm.s32 $_scs_section_size  }
0xa0: {  	s6 =	simm.s32 $_size__tile_overlayer_lowered;
	s7 =	simm.s32 $_tile_overlayer_lowered  }
0xa1: {  	s22 =	simm.s32 $0x1BFF;
	s21 =	sshll.u32 s7, $0x1;
	s4 =	sadd.s32 s5, s19  }
0xa2: {  	s8 =	simm.s32 $0x0;
	s20 =	sshll.u32 s6, $0x1;
	s6 =	sadd.s32 s21, s4  }
0xa3: {  	[timem:s8], [sflag:s22] =	dma.local [hbm:s6], s20  }
0xa4: {  	_ =	swait.ge [sflag:s22], s20  }
0xa5: {  	s5 =	ssub.s32 $0x0, s20;
	[sflag:s22] =	ssyncset.done $0x0  }
0xa6: {  	[sflag:s22] =	ssyncadd.s32 s5;
	_ =	sdelay $0x1  }
0xa7: {  	s23 =	simm.s32 $0x1B8B  }
0xa8: {  	_ =	swait.ge [sflag:s23], $0x1  }
0xa9: {  	[sflag:s23] =	ssyncset.done $0x0  }
0xaa: {  	s25 =	simm.s32 $0x1B8E;
	s24 =	sld [smem:$0x3FFE];
	[sflag:s23] =	ssyncadd.s32 $0xFFFFFFFF  }
0xab: {  	s26 =	simm.s32 $execute0_lowered;
	[smem:$0x3FD2] =	sst s25  }
0xac: {  	s6 =	sshll.u32 s26, $0x1;
	_ =	strace $0x80000046;
	[dreg:$0x1] =	wrdreg $0xFFFFFFFF  }
0xad: {  	s28 =	simm.s32 $_size_execute0_lowered;
	s4 =	sadd.s32 s4, s6;
	[dreg:$0x0] =	wrdreg $0x0  }
0xae: {  	s6 =	sshll.u32 s28, $0x1;
	[dreg:$0x2] =	wrdreg s4  }
0xaf: {  	[dreg:$0x3] =	wrdreg s6  }
0xb0: {  	[dreg:$0x4] =	wrdreg $0xC0  }
0xb1: {  	_ =	task [dreg:s8], $0x5FFFF  }
0xb2: {  	[dreg:$0x1] =	wrdreg $0xFFFFFFFF  }
0xb3: {  	[dreg:$0x0] =	wrdreg $0x60  }
0xb4: {  	[dreg:$0x2] =	wrdreg s24  }
0xb5: {  	[dreg:$0x3] =	wrdreg s16  }
0xb6: {  	[dreg:$0x4] =	wrdreg s17  }
0xb7: {  	[dreg:$0x5] =	wrdreg $0x9  }
0xb8: {  	_ =	task.clear_ibuf [dreg:s8], $0x6FFFF;
	_ =	strace $0x90000046  }
0xb9: {  	s29 =	simm.s32 $0x9;
	_ =	strace $0x80000048  }
0xba: {  	_ =	swait.ge [sflag:s29], $0x1  }
0xbb: {  	[sflag:s29] =	ssyncadd.s32 $0xFFFFFFFF  }
0xbc: {  	_ =	strace $0x90000048  }
0xbd: {  	_ =	sfence  }
0xbe: {  	s30 =	sld [smem:$0x0];
	_ =	sdelay $0x2  }
0xbf: {  	s31 =	sshll.u32 s1, $0xD;
	s1 =	sshrl.u32 s1, $0x2  }
0xc0: {  	s3 =	sand.u32 $0x4000, s31;
	s1 =	sadd.s32 s1, s30  }
0xc1: {  	s0 =	sor.u32 s3, s0;
	s1 =	sshll.u32 s1, $0x11  }
0xc2: {  	s0 =	sor.u32 s1, s0  }
0xc3: {  	s0 =	sadd.s32 $0x8F2B, s0  }
0xc4: {  	[sflag:s0] =	ssyncadd.remote.s32 $0x1  }
0xc5: {  	_ =	sfence.sel $0xFFFF  }
0xc6: {  	[dreg:$0x0] =	wrdreg $0xFFFFFFFF;
	(pc) =	sbr.abs _section_cstart, $3  }
0xc7: {  	[dreg:$0x1] =	wrdreg $0xFFFFFFFF  }
0xc8: {  	_ =	task.clear_ibuf [dreg:s8], $0x2FFFF;
	_ =	strace $0x9FFFFFFF  }
0xc9: {  	(tm) =	ssettm $0x7FFFFFFF  }
tec
execute0_lowered:
.L_overlay_start_1:
0x0: {  	(tag) =	ssettag $0x1  }
0x1: {  	s3 =	rddreg [dreg:$0x0]  }
0x2: {  	s4 =	rddreg [dreg:$0x1]  }
0x3: {  	s5 =	rddreg [dreg:$0x2]  }
0x4: {  	s0 =	rddreg [dreg:$0x3]  }
0x5: {  	s2 =	simm.s32 $0x0;
	s6 =	srdreg.scid;
	s1 =	stileid.u32  }
0x6: {  	s11 =	simm.s32 $0x1A00;
	s12 =	simm.s32 $0x2200;
	s13 =	simm.s32 $0x2A00  }
0x7: {  	s14 =	simm.s32 $0x3200;
	s15 =	simm.s32 $0x3A00;
	s16 =	simm.s32 $0x4200  }
0x8: {  	s17 =	simm.s32 $0x4A00;
	s18 =	simm.s32 $0x5200;
	s19 =	simm.s32 $0x5A00  }
0x9: {  	s20 =	simm.s32 $0x6200;
	s21 =	simm.s32 $0x6A00;
	s22 =	simm.s32 $0x7200  }
0xa: {  	s23 =	simm.s32 $0x7A00;
	s24 =	simm.s32 $0x1;
	s25 =	simm.s32 $0x0  }
0xb: {  	[smem:$0x7FF] =	sst s2;
	s6 =	sand.u32 $0x1, s6;
	s3 =	sadd.s32 $0x109200, s3  }
0xc: {  	s8 =	sshll.u32 s1, $0xA;
	s30 =	sshll.u32 s1, $0xF;
	_ =	strace $0x80000047  }
0xd: {  	s7 =	ssub.s32 $0x2, s6;
	s9 =	sshll.u32 s6, $0x9;
	s31 =	sadd.s32 s30, s5  }
0xe: {  	s6 =	sshll.u32 s6, $0xE;
	s10 =	sshrl.u32 s7, $0x1;
	s8 =	sor.u32 s9, s8  }
0xf: {  	v2 =	vlaneseq.u32;
	s6 =	sadd.s32 s6, s31;
	s9 =	simm.s32 $0xA00;
	s8 =	sshrl.u32 s8, $0x3  }
0x10: {  	vm0 =	vmmov $0xffff;
	v1 =	vshrl.u32 v2, $0x3;
	s7 =	ssub.s32 s7, s10;
	s10 =	simm.s32 $0x1200;
	s4 =	sadd.s32 s4, s8  }
0x11: {  	v0 =	vand.u32 $0x7, v2;
	v2 =	vor.u32 $0x8, v2;
	v1 =	vmul.u32 $0x8, v1;
	s5 =	smax.u32 s7, $0x1;
	s7 =	simm.s32 $0x2;
	s8 =	simm.s32 $0x200  }
.LBB2_1:
0x12: {  	[tilespmem:s2], [sflag:$0x2] =	stream.linear.gather [hbm4b:s4+s2], $0x200, $0x38;
	[tilespmem:$0x8200] =	vst v63  }
0x13: {  	_ =	swait.ge [sflag:s7], $0x200  }
0x14: {  	[sflag:s7] =	ssyncset.done $0x0  }
0x15: {  	s26 =	simm.s32 $0x40;
	s28 =	simm.s32 $0x0;
	[sflag:s7] =	ssyncadd.s32 $0xFFFFFE00  }
.LBB2_2:
0x16: {  	v3 =	vld [tilespmem:s26+$0xFFFFFFC0];
	_ =	sdelay $0x4  }
0x17: {  	v4 =	vshll.u32 v3, $0x1  }
0x18: {  	v3 =	vand.u32 $0x7, v3;
	v4 =	vand.u32 $0xFFFFFFF0, v4  }
0x19: {  	v3 =	vor.u32 v3, v4  }
0x1a: {  	v4 =	vperm.xlane v3, v0;
	_ =	sdelay $0x1  }
0x1b: {  	v3 =	vperm.xlane v3, v2;
	v4 =	vadd.s32 v1, v4;
	_ =	sdelay $0x1  }
0x1c: {  	v3 =	vadd.s32 v1, v3;
	_ =	sdelay $0x2  }
0x1d: {  	[tilespmem:s8], [sflag:$0x1] =	stream.indirect_vreg.gather [hbm4b:s3+s2], $0x80, v4, vm0, $0xb8;
	[tilespmem:$0x8200] =	vst v63  }
0x1e: {  	_ = 	snop  }
0x1f: {  	[tilespmem:s9], [sflag:$0x1] =	stream.indirect_vreg.gather [hbm4b:s3+s2], $0x80, v3, vm0, $0xb8;
	[tilespmem:$0x8200] =	vst v63  }
0x20: {  	v3 =	vld [tilespmem:s26+$0xFFFFFFD0];
	_ =	sdelay $0x4  }
0x21: {  	v57 =	vshll.u32 v3, $0x1  }
0x22: {  	v3 =	vand.u32 $0x7, v3;
	v4 =	vand.u32 $0xFFFFFFF0, v57  }
0x23: {  	v3 =	vor.u32 v3, v4  }
0x24: {  	v4 =	vperm.xlane v3, v0;
	_ =	sdelay $0x1  }
0x25: {  	v3 =	vperm.xlane v3, v2;
	v4 =	vadd.s32 v1, v4;
	_ =	sdelay $0x1  }
0x26: {  	v3 =	vadd.s32 v1, v3;
	_ =	sdelay $0x2  }
0x27: {  	[tilespmem:s10], [sflag:$0x1] =	stream.indirect_vreg.gather [hbm4b:s3+s2], $0x80, v4, vm0, $0xb8;
	[tilespmem:$0x8200] =	vst v63  }
0x28: {  	_ = 	snop  }
0x29: {  	[tilespmem:s11], [sflag:$0x1] =	stream.indirect_vreg.gather [hbm4b:s3+s2], $0x80, v3, vm0, $0xb8;
	[tilespmem:$0x8200] =	vst v63  }
0x2a: {  	v3 =	vld [tilespmem:s26+$0xFFFFFFE0];
	_ =	sdelay $0x4  }
0x2b: {  	v58 =	vshll.u32 v3, $0x1  }
0x2c: {  	v3 =	vand.u32 $0x7, v3;
	v4 =	vand.u32 $0xFFFFFFF0, v58  }
0x2d: {  	v3 =	vor.u32 v3, v4  }
0x2e: {  	v4 =	vperm.xlane v3, v0;
	_ =	sdelay $0x1  }
0x2f: {  	v3 =	vperm.xlane v3, v2;
	v4 =	vadd.s32 v1, v4;
	_ =	sdelay $0x1  }
0x30: {  	v3 =	vadd.s32 v1, v3;
	_ =	sdelay $0x2  }
0x31: {  	[tilespmem:s12], [sflag:$0x1] =	stream.indirect_vreg.gather [hbm4b:s3+s2], $0x80, v4, vm0, $0xb8;
	[tilespmem:$0x8200] =	vst v63  }
0x32: {  	_ = 	snop  }
0x33: {  	[tilespmem:s13], [sflag:$0x1] =	stream.indirect_vreg.gather [hbm4b:s3+s2], $0x80, v3, vm0, $0xb8;
	[tilespmem:$0x8200] =	vst v63  }
0x34: {  	v3 =	vld [tilespmem:s26+$0xFFFFFFF0];
	_ =	sdelay $0x4  }
0x35: {  	v59 =	vshll.u32 v3, $0x1  }
0x36: {  	v3 =	vand.u32 $0x7, v3;
	v4 =	vand.u32 $0xFFFFFFF0, v59  }
0x37: {  	v3 =	vor.u32 v3, v4  }
0x38: {  	v4 =	vperm.xlane v3, v0;
	_ =	sdelay $0x1  }
0x39: {  	v3 =	vperm.xlane v3, v2;
	v4 =	vadd.s32 v1, v4;
	_ =	sdelay $0x1  }
0x3a: {  	v3 =	vadd.s32 v1, v3;
	_ =	sdelay $0x2  }
0x3b: {  	[tilespmem:s14], [sflag:$0x1] =	stream.indirect_vreg.gather [hbm4b:s3+s2], $0x80, v4, vm0, $0xb8;
	[tilespmem:$0x8200] =	vst v63  }
0x3c: {  	_ = 	snop  }
0x3d: {  	[tilespmem:s15], [sflag:$0x1] =	stream.indirect_vreg.gather [hbm4b:s3+s2], $0x80, v3, vm0, $0xb8;
	[tilespmem:$0x8200] =	vst v63  }
0x3e: {  	v3 =	vld [tilespmem:s26+$0x0];
	_ =	sdelay $0x4  }
0x3f: {  	v60 =	vshll.u32 v3, $0x1  }
0x40: {  	v3 =	vand.u32 $0x7, v3;
	v4 =	vand.u32 $0xFFFFFFF0, v60  }
0x41: {  	v3 =	vor.u32 v3, v4  }
0x42: {  	v4 =	vperm.xlane v3, v0;
	_ =	sdelay $0x1  }
0x43: {  	v3 =	vperm.xlane v3, v2;
	v4 =	vadd.s32 v1, v4;
	_ =	sdelay $0x1  }
0x44: {  	v3 =	vadd.s32 v1, v3;
	_ =	sdelay $0x2  }
0x45: {  	[tilespmem:s16], [sflag:$0x1] =	stream.indirect_vreg.gather [hbm4b:s3+s2], $0x80, v4, vm0, $0xb8;
	[tilespmem:$0x8200] =	vst v63  }
0x46: {  	_ = 	snop  }
0x47: {  	[tilespmem:s17], [sflag:$0x1] =	stream.indirect_vreg.gather [hbm4b:s3+s2], $0x80, v3, vm0, $0xb8;
	[tilespmem:$0x8200] =	vst v63  }
0x48: {  	v3 =	vld [tilespmem:s26+$0x10];
	_ =	sdelay $0x4  }
0x49: {  	v61 =	vshll.u32 v3, $0x1  }
0x4a: {  	v3 =	vand.u32 $0x7, v3;
	v4 =	vand.u32 $0xFFFFFFF0, v61  }
0x4b: {  	v3 =	vor.u32 v3, v4  }
0x4c: {  	v4 =	vperm.xlane v3, v0;
	_ =	sdelay $0x1  }
0x4d: {  	v3 =	vperm.xlane v3, v2;
	v4 =	vadd.s32 v1, v4;
	_ =	sdelay $0x1  }
0x4e: {  	v3 =	vadd.s32 v1, v3;
	_ =	sdelay $0x2  }
0x4f: {  	[tilespmem:s18], [sflag:$0x1] =	stream.indirect_vreg.gather [hbm4b:s3+s2], $0x80, v4, vm0, $0xb8;
	[tilespmem:$0x8200] =	vst v63  }
0x50: {  	_ = 	snop  }
0x51: {  	[tilespmem:s19], [sflag:$0x1] =	stream.indirect_vreg.gather [hbm4b:s3+s2], $0x80, v3, vm0, $0xb8;
	[tilespmem:$0x8200] =	vst v63  }
0x52: {  	v3 =	vld [tilespmem:s26+$0x20];
	_ =	sdelay $0x4  }
0x53: {  	v62 =	vshll.u32 v3, $0x1  }
0x54: {  	v3 =	vand.u32 $0x7, v3;
	v4 =	vand.u32 $0xFFFFFFF0, v62  }
0x55: {  	v3 =	vor.u32 v3, v4  }
0x56: {  	v4 =	vperm.xlane v3, v0;
	_ =	sdelay $0x1  }
0x57: {  	v3 =	vperm.xlane v3, v2;
	v4 =	vadd.s32 v1, v4;
	_ =	sdelay $0x1  }
0x58: {  	v3 =	vadd.s32 v1, v3;
	_ =	sdelay $0x2  }
0x59: {  	[tilespmem:s20], [sflag:$0x1] =	stream.indirect_vreg.gather [hbm4b:s3+s2], $0x80, v4, vm0, $0xb8;
	[tilespmem:$0x8200] =	vst v63  }
0x5a: {  	_ = 	snop  }
0x5b: {  	[tilespmem:s21], [sflag:$0x1] =	stream.indirect_vreg.gather [hbm4b:s3+s2], $0x80, v3, vm0, $0xb8;
	[tilespmem:$0x8200] =	vst v63  }
0x5c: {  	v3 =	vld [tilespmem:s26+$0x30];
	_ =	sdelay $0x4  }
0x5d: {  	v63 =	vshll.u32 v3, $0x1  }
0x5e: {  	v3 =	vand.u32 $0x7, v3;
	v4 =	vand.u32 $0xFFFFFFF0, v63  }
0x5f: {  	v3 =	vor.u32 v3, v4  }
0x60: {  	v4 =	vperm.xlane v3, v0;
	_ =	sdelay $0x1  }
0x61: {  	v3 =	vperm.xlane v3, v2;
	v4 =	vadd.s32 v1, v4;
	_ =	sdelay $0x1  }
0x62: {  	v3 =	vadd.s32 v1, v3;
	_ =	sdelay $0x2  }
0x63: {  	[tilespmem:s22], [sflag:$0x1] =	stream.indirect_vreg.gather [hbm4b:s3+s2], $0x80, v4, vm0, $0xb8;
	[tilespmem:$0x8200] =	vst v63  }
0x64: {  	_ = 	snop  }
0x65: {  	[tilespmem:s23], [sflag:$0x1] =	stream.indirect_vreg.gather [hbm4b:s3+s2], $0x80, v3, vm0, $0xb8;
	[tilespmem:$0x8200] =	vst v63  }
0x66: {  	_ =	swait.ge [sflag:s24], $0x8000  }
0x67: {  	p0 =	sne.s32 s28, $0x3000;
	[sflag:s24] =	ssyncset.done $0x0  }
.Ltmp0:
0x68: {  	s29 =	sadd.s32 s28, s6;
	[sflag:s24] =	ssyncadd.s32 $0xFFFF8000;
	(pc) =	sbr.rel @p0 .LBB2_2-.Ltmp0, $4  }
0x69: {  	[hbm4b:s29+s2] =	stream.linear.scatter [tilespmem:s8], [sflag:$0x2], $0x8000, $0x38;
	[tilespmem:$0x8200] =	vst v63  }
0x6a: {  	_ =	swait.ge [sflag:s7], $0x8000  }
0x6b: {  	[sflag:s7] =	ssyncset.done $0x0  }
0x6c: {  	s28 =	sadd.s32 $0x1000, s28;
	s26 =	sadd.s32 $0x80, s26;
	[sflag:s7] =	ssyncadd.s32 $0xFFFF8000  }
0x6d: {  	s25 =	sadd.s32 $0x1, s25  }
0x6e: {  	p0 =	sne.s32 s25, s5  }
.Ltmp1:
0x6f: {  	_ = 	snop;
	(pc) =	sbr.rel @p0 .LBB2_1-.Ltmp1, $1  }
0x70: {  	_ =	sdelay $0x3  }
0x71: {  	_ =	sfence.sel $0x180000  }
0x72: {  	[bflag:$0x0] =	sbarrier.arrive $0xFFFF  }
0x73: {  	p0 =	sne.s32 s1, $0x0;
	_ =	strace $0x90000047  }
0x74: {  	s0 =	sadd.s32 @!p0 $0x100000, s0;
	[bflag:$0x2] =	sbarrier.arrive $0xFFFF  }
0x75: {  	[sflag:s0] =	ssyncadd.tile.s32 @!p0 $0x1;
	_ =	shalt  }
.Lfunc_end2:
_tile_overlayer_lowered:
.L_overlay_start_2:
0x76: {  	(tag) =	ssettag $0x2  }
0x77: {  	s0 =	rddreg [dreg:$0x0];
	s2 =	stileid.u32  }
0x78: {  	s1 =	rddreg [dreg:$0x1];
	p0 =	sne.s32 s2, $0x0  }
0x79: {  	s3 =	rddreg [dreg:$0x2];
	[bflag:$0x3] =	sbarrier.arrive $0xFFFF;
	s2 =	simm.s32 @!p0 $0x1C02  }
0x7a: {  	[timem:s3], [sflag:s2] =	dma.local @!p0 [hbm:s0], s1  }
0x7b: {  	s0 =	simm.s32 @!p0 $0x2  }
0x7c: {  	_ =	swait.ge @!p0 [sflag:s0], s1  }
0x7d: {  	s1 =	ssub.s32 @!p0 $0x0, s1;
	[sflag:s0] =	ssyncset.done @!p0 $0x0  }
0x7e: {  	[sflag:s0] =	ssyncadd.s32 @!p0 s1  }
0x7f: {  	[bflag:$0x3] =	sbarrier.arrive $0xFFFF  }
0x80: {  	_ =	shalt  }

// kernel: kernel.31.cloned.1.call-start
scs
__scs_entry_jumppad:
0x0: {  	(pc) =	sbr.rel $0x88, $3  }
0x1: {  	(tag) =	ssettag $0x0;
	lr =	simm.s32 $0x1  }
0x2: {  	[smem:$0x3F92] =	sst lr;
	_ =	strace $0xD0000000  }
0x3: {  	_ = 	snop  }
0x4: {  	_ = 	snop  }
0x5: {  	_ = 	snop  }
0x6: {  	_ = 	snop  }
0x7: {  	_ = 	snop  }
__scs_overlays_trampoline_lowered:
0x8: {  	[smem:$0x3FA1] =	sst s0  }
0x9: {  	[smem:$0x3FA2] =	sst s1  }
0xa: {  	[smem:$0x3FA3] =	sst s2  }
0xb: {  	[smem:$0x3FA4] =	sst s3  }
0xc: {  	[smem:$0x3FA5] =	sst s4  }
0xd: {  	[smem:$0x3FA6] =	sst s5  }
0xe: {  	[smem:$0x3FA7] =	sst s6  }
0xf: {  	[smem:$0x3FA8] =	sst s7  }
0x10: {  	[smem:$0x3FA9] =	sst s8  }
0x11: {  	[smem:$0x3FAA] =	sst s9;
	s0 =	simm.s32 @!p0 $0x0  }
0x12: {  	s1 =	sld [smem:$0x3F90];
	s0 =	simm.s32 @p0 $0x1  }
0x13: {  	[smem:$0x3FAB] =	sst s0;
	s0 =	simm.s32 @!p1 $0x0  }
0x14: {  	s2 =	sld [smem:$0x3F8F];
	s0 =	simm.s32 @p1 $0x1  }
0x15: {  	[smem:$0x3FAC] =	sst s0;
	s0 =	simm.s32 @!p2 $0x0  }
0x16: {  	s3 =	sld [smem:$0x3FDB];
	s0 =	simm.s32 @p2 $0x1  }
0x17: {  	s4 =	simm.s32 $0x1BF5;
	[smem:$0x3FAE] =	sst s0  }
0x18: {  	s0 =	sld [smem:$0x3F91];
	_ =	swait.ge [sflag:s4], $0x0  }
0x19: {  	s7 =	sld [smem:$0x3F92]  }
0x1a: {  	s8 =	sadd.s32 $0xFFFFE003, lr  }
0x1b: {  	s9 =	sadd.s32 $0xFFFFFEF7, lr;
	s5 =	simm.s32 $0xFFFFFFFF;
	p2 =	slt.u32 s8, $0xFFFFF086  }
0x1c: {  	p1 =	slt.u32 s9, $0xF7A;
	s5 =	simm.s32 @!p2 $0x0  }
0x1d: {  	s5 =	simm.s32 @p1 $0x1;
	p0 =	seq.s32 s7, s2  }
0x1e: {  	s7 =	smul.u32 @!p0 $0xF7A, s2;
	p2 =	seq.s32 @!p0 s5, $0x0  }
0x1f: {  	s9 =	smul.u32 $0xF7A, s1;
	s8 =	simm.s32 @!p0 $0x1BF5;
	p2 =	por !p2, p0  }
0x20: {  	[sflag:s8] =	ssyncset.s32 @!p0 $0xFFFFF086;
	s6 =	sadd.s32 @!p0 s3, s7;
	s7 =	simm.s32 @!p0 $0x108  }
0x21: {  	s3 =	sadd.s32 s3, s9;
	s6 =	sadd.s32 @!p0 $0x88, s6;
	s7 =	simm.s32 @p2 $0x1082  }
0x22: {  	[simem:s7], [sflag:s8] =	dma.local @!p0 [hbm:s6], $0xF7A  }
0x23: {  	s9 =	sor.u32 $0xD0000000, s2;
	s6 =	simm.s32 $0x108;
	_ =	swait.ge @!p0 [sflag:s8], $0x0  }
0x24: {  	s3 =	sadd.s32 $0x88, s3;
	s6 =	simm.s32 @!p1 $0x1082;
	[sflag:s4] =	ssyncset.s32 $0xFFFFF086  }
0x25: {  	[simem:s6], [sflag:s4] =	dma.local [hbm:s3], $0xF7A  }
0x26: {  	[smem:$0x3F92] =	sst s1;
	(tag) =	ssettag s2;
	_ =	strace s9  }
0x27: {  	s1 =	sld [smem:$0x3FA2]  }
0x28: {  	s2 =	sld [smem:$0x3FA3]  }
0x29: {  	s4 =	sld [smem:$0x3FA5]  }
0x2a: {  	p0 =	seq.s32 s5, $0x0;
	s5 =	sld [smem:$0x3FA6]  }
0x2b: {  	s6 =	sld [smem:$0x3FA7]  }
0x2c: {  	s7 =	sld [smem:$0x3FA8]  }
0x2d: {  	s3 =	simm.s32 $0x108;
	s8 =	sld [smem:$0x3FA9]  }
0x2e: {  	s3 =	simm.s32 @!p0 $0x1082;
	s9 =	sld [smem:$0x3FAA]  }
0x2f: {  	lr =	sadd.s32 s0, s3;
	s0 =	sld [smem:$0x3FA1]  }
0x30: {  	s3 =	sld [smem:$0x3FA4]  }
0x31: {  	[smem:$0x3FAD] =	sst s10  }
0x32: {  	s10 =	sld [smem:$0x3FAB];
	_ =	sdelay $0x3  }
0x33: {  	p0 =	seq.s32 s10, $0x1;
	s10 =	sld [smem:$0x3FAD];
	_ =	sdelay $0x3  }
0x34: {  	[smem:$0x3FAD] =	sst s10  }
0x35: {  	s10 =	sld [smem:$0x3FAC];
	_ =	sdelay $0x3  }
0x36: {  	p1 =	seq.s32 s10, $0x1;
	s10 =	sld [smem:$0x3FAD];
	_ =	sdelay $0x3  }
0x37: {  	[smem:$0x3FAD] =	sst s10  }
0x38: {  	s10 =	sld [smem:$0x3FAE]  }
0x39: {  	_ = 	snop;
	(pc) =	sbr.ind lr, $3  }
0x3a: {  	_ = 	snop  }
0x3b: {  	_ = 	snop  }
0x3c: {  	p2 =	seq.s32 s10, $0x1;
	s10 =	sld [smem:$0x3FAD]  }
0x3d: {  	_ =	shalt  }
0x3e: {  	_ =	shalt  }
0x3f: {  	_ =	shalt  }
0x40: {  	_ =	shalt  }
0x41: {  	_ =	shalt  }
0x42: {  	_ =	shalt  }
0x43: {  	_ =	shalt  }
0x44: {  	_ =	shalt  }
0x45: {  	_ =	shalt  }
0x46: {  	_ =	shalt  }
0x47: {  	_ =	shalt  }
0x48: {  	_ =	shalt  }
0x49: {  	_ =	shalt  }
0x4a: {  	_ =	shalt  }
0x4b: {  	_ =	shalt  }
0x4c: {  	_ =	shalt  }
0x4d: {  	_ =	shalt  }
0x4e: {  	_ =	shalt  }
0x4f: {  	_ =	shalt  }
0x50: {  	_ =	shalt  }
0x51: {  	_ =	shalt  }
0x52: {  	_ =	shalt  }
0x53: {  	_ =	shalt  }
0x54: {  	_ =	shalt  }
0x55: {  	_ =	shalt  }
0x56: {  	_ =	shalt  }
0x57: {  	_ =	shalt  }
0x58: {  	_ =	shalt  }
0x59: {  	_ =	shalt  }
0x5a: {  	_ =	shalt  }
0x5b: {  	_ =	shalt  }
0x5c: {  	_ =	shalt  }
0x5d: {  	_ =	shalt  }
0x5e: {  	_ =	shalt  }
0x5f: {  	_ =	shalt  }
0x60: {  	_ =	shalt  }
0x61: {  	_ =	shalt  }
0x62: {  	_ =	shalt  }
0x63: {  	_ =	shalt  }
0x64: {  	_ =	shalt  }
0x65: {  	_ =	shalt  }
0x66: {  	_ =	shalt  }
0x67: {  	_ =	shalt  }
0x68: {  	_ =	shalt  }
0x69: {  	_ =	shalt  }
0x6a: {  	_ =	shalt  }
0x6b: {  	_ =	shalt  }
0x6c: {  	_ =	shalt  }
0x6d: {  	_ =	shalt  }
0x6e: {  	_ =	shalt  }
0x6f: {  	_ =	shalt  }
0x70: {  	_ =	shalt  }
0x71: {  	_ =	shalt  }
0x72: {  	_ =	shalt  }
0x73: {  	_ =	shalt  }
0x74: {  	_ =	shalt  }
0x75: {  	_ =	shalt  }
0x76: {  	_ =	shalt  }
0x77: {  	_ =	shalt  }
0x78: {  	_ =	shalt  }
0x79: {  	_ =	shalt  }
0x7a: {  	_ =	shalt  }
0x7b: {  	_ =	shalt  }
0x7c: {  	_ =	shalt  }
0x7d: {  	_ =	shalt  }
0x7e: {  	_ =	shalt  }
0x7f: {  	_ =	shalt  }
0x80: {  	_ =	shalt  }
0x81: {  	_ =	shalt  }
0x82: {  	_ =	shalt  }
0x83: {  	_ =	shalt  }
0x84: {  	_ =	shalt  }
0x85: {  	_ =	shalt  }
0x86: {  	_ =	shalt  }
0x87: {  	_ =	shalt  }
.Lfunc_end0:
.L_simem_size_0:
called_computation.1_lowered:
.L_overlay_start_0:
0x88: {  	s2 =	sld [smem:$0x3FD9]  }
0x89: {  	s3 =	sld [smem:$0x3FFE];
	_ =	sdelay $0x1  }
0x8a: {  	s1 =	srdreg.scid  }
0x8b: {  	s0 =	sand.u32 $0x1, s1  }
0x8c: {  	s15 =	sshll.u32 s0, $0xA;
	s2 =	sadd.s32 s3, s2  }
0x8d: {  	s2 =	sadd.s32 s2, s15  }
0x8e: {  	[smem:$0x3FB9] =	sst s2  }
0x8f: {  	_ = 	snop  }
0x90: {  	s2 =	sld [smem:$0x3FD0];
	_ =	sdelay $0x2  }
0x91: {  	s16 =	simm.s32 $0xD;
	s4 =	simm.s32 $0x10  }
0x92: {  	[smem:s4], [sflag:s16] =	dma.local [hbm:s2], $0x1  }
0x93: {  	_ =	swait.eq [sflag:s16], $0x1  }
0x94: {  	[sflag:s16] =	ssyncset.done $0x0  }
0x95: {  	[sflag:s16] =	ssyncadd.s32 $0xFFFFFFFF  }
0x96: {  	s17 =	sld [smem:$0x12];
	(tm) =	ssettm $0x1  }
0x97: {  	s18 =	sld [smem:$0x3FFB];
	_ =	sdelay $0x3  }
0x98: {  	_ =	strace s18  }
0x99: {  	s2 =	sld [smem:$0x3FFC];
	_ =	sdelay $0x3  }
0x9a: {  	_ =	strace s2  }
0x9b: {  	s2 =	sld [smem:$0x3FFD];
	_ =	sdelay $0x3  }
0x9c: {  	_ =	strace s2  }
0x9d: {  	_ =	strace $0x8FFFFFFF  }
0x9e: {  	s19 =	sld [smem:$0x3FDB];
	_ =	sdelay $0x1  }
0x9f: {  	s20 =	simm.s32 $_scs_section_size  }
0xa0: {  	s5 =	simm.s32 $_size__tile_overlayer_lowered;
	s6 =	simm.s32 $_tile_overlayer_lowered  }
0xa1: {  	s7 =	simm.s32 $0x1BFF;
	s21 =	sshll.u32 s6, $0x1;
	s4 =	sadd.s32 s20, s19  }
0xa2: {  	s22 =	simm.s32 $0x0;
	s5 =	sshll.u32 s5, $0x1;
	s6 =	sadd.s32 s21, s4  }
0xa3: {  	[timem:s22], [sflag:s7] =	dma.local [hbm:s6], s5  }
0xa4: {  	_ =	swait.ge [sflag:s7], s5  }
0xa5: {  	s5 =	ssub.s32 $0x0, s5;
	[sflag:s7] =	ssyncset.done $0x0  }
0xa6: {  	[sflag:s7] =	ssyncadd.s32 s5;
	_ =	sdelay $0x1  }
0xa7: {  	s23 =	simm.s32 $0x1B8B  }
0xa8: {  	_ =	swait.ge [sflag:s23], $0x1  }
0xa9: {  	[sflag:s23] =	ssyncset.done $0x0  }
0xaa: {  	[sflag:s23] =	ssyncadd.s32 $0xFFFFFFFF  }
0xab: {  	s5 =	sld [smem:$0x0]  }
0xac: {  	s6 =	sand.u32 $0xFFFFFFFE, s1  }
0xad: {  	p0 =	sne.s32 s1, s6  }
0xae: {  	s6 =	sshll.u32 @p0 s6, $0xE  }
0xaf: {  	s6 =	sadd.s32 @p0 $0x11B8D, s6;
	s7 =	sshll.u32 @p0 s5, $0x11  }
0xb0: {  	s6 =	sor.u32 @p0 s7, s6  }
0xb1: {  	[sflag:s6] =	ssyncadd.remote.s32 @p0 $0x1;
	_ =	sdelay $0x1  }
0xb2: {  	s6 =	simm.s32 @p0 $0x1B8D  }
0xb3: {  	_ =	swait.eq @p0 [sflag:s6], $0x1  }
0xb4: {  	[sflag:s6] =	ssyncadd.s32 @p0 $0xFFFFFFFF  }
0xb5: {  	s7 =	sshll.u32 @!p0 s1, $0xE  }
0xb6: {  	s7 =	sor.u32 @!p0 $0x4000, s7;
	s6 =	simm.s32 @!p0 $0x1B8D  }
0xb7: {  	s5 =	sshll.u32 @!p0 s5, $0x11;
	s7 =	sadd.s32 @!p0 $0x11B8D, s7;
	_ =	swait.eq @!p0 [sflag:s6], $0x1  }
0xb8: {  	s5 =	sor.u32 @!p0 s5, s7;
	[sflag:s6] =	ssyncadd.s32 @!p0 $0xFFFFFFFF  }
0xb9: {  	s25 =	simm.s32 $0x1B8E;
	s24 =	sld [smem:$0x3FFE];
	[sflag:s5] =	ssyncadd.remote.s32 @!p0 $0x1  }
0xba: {  	s26 =	simm.s32 $execute0_lowered;
	[smem:$0x3FD2] =	sst s25  }
0xbb: {  	s6 =	sshll.u32 s26, $0x1;
	_ =	strace $0x80000052;
	[dreg:$0x1] =	wrdreg $0xFFFFFFFF  }
0xbc: {  	s28 =	simm.s32 $_size_execute0_lowered;
	s4 =	sadd.s32 s4, s6;
	[dreg:$0x0] =	wrdreg $0x0  }
0xbd: {  	s6 =	sshll.u32 s28, $0x1;
	[dreg:$0x2] =	wrdreg s4  }
0xbe: {  	[dreg:$0x3] =	wrdreg s6  }
0xbf: {  	[dreg:$0x4] =	wrdreg $0xC0  }
0xc0: {  	_ =	task [dreg:s22], $0x5FFFF  }
0xc1: {  	[dreg:$0x1] =	wrdreg $0xFFFFFFFF  }
0xc2: {  	[dreg:$0x0] =	wrdreg $0x60  }
0xc3: {  	[dreg:$0x2] =	wrdreg s24  }
0xc4: {  	[dreg:$0x3] =	wrdreg s17  }
0xc5: {  	[dreg:$0x4] =	wrdreg $0x9  }
0xc6: {  	_ =	task.clear_ibuf [dreg:s22], $0x5FFFF;
	_ =	strace $0x90000052  }
0xc7: {  	s29 =	simm.s32 $0x9;
	_ =	strace $0x80000054  }
0xc8: {  	_ =	swait.ge [sflag:s29], $0x1  }
0xc9: {  	[sflag:s29] =	ssyncadd.s32 $0xFFFFFFFF  }
0xca: {  	_ =	strace $0x90000054  }
0xcb: {  	_ =	sfence  }
0xcc: {  	s30 =	sld [smem:$0x0];
	_ =	sdelay $0x2  }
0xcd: {  	s31 =	sshll.u32 s1, $0xD;
	s1 =	sshrl.u32 s1, $0x2  }
0xce: {  	s4 =	sand.u32 $0x4000, s31;
	s1 =	sadd.s32 s1, s30  }
0xcf: {  	s0 =	sor.u32 s4, s0;
	s1 =	sshll.u32 s1, $0x11  }
0xd0: {  	s0 =	sor.u32 s1, s0  }
0xd1: {  	s0 =	sadd.s32 $0x8F2B, s0  }
0xd2: {  	[sflag:s0] =	ssyncadd.remote.s32 $0x1  }
0xd3: {  	_ =	sfence.sel $0xFFFF  }
0xd4: {  	[dreg:$0x0] =	wrdreg $0xFFFFFFFF;
	(pc) =	sbr.abs _section_cstart, $3  }
0xd5: {  	[dreg:$0x1] =	wrdreg $0xFFFFFFFF  }
0xd6: {  	_ =	task.clear_ibuf [dreg:s22], $0x2FFFF;
	_ =	strace $0x9FFFFFFF  }
0xd7: {  	(tm) =	ssettm $0x7FFFFFFF  }
tec
execute0_lowered:
.L_overlay_start_1:
0x0: {  	(tag) =	ssettag $0x1  }
0x1: {  	s4 =	rddreg [dreg:$0x0]  }
0x2: {  	s5 =	rddreg [dreg:$0x1]  }
0x3: {  	s0 =	rddreg [dreg:$0x2];
	s2 =	simm.s32 $0x0;
	s1 =	stileid.u32  }
0x4: {  	s6 =	srdreg.scid;
	s11 =	simm.s32 $0x0;
	[smem:$0x7FF] =	sst s2  }
0x5: {  	s3 =	sadd.s32 $0x309200, s4;
	s7 =	sshll.u32 s1, $0x11;
	s6 =	sand.u32 $0x1, s6  }
0x6: {  	s9 =	sshll.u32 s1, $0xD;
	_ =	strace $0x80000053;
	s8 =	ssub.s32 $0x2, s6  }
0x7: {  	s10 =	sshll.u32 s6, $0xC;
	s7 =	sadd.s32 s7, s4;
	s6 =	sshll.u32 s6, $0x10  }
0x8: {  	s30 =	sshrl.u32 s8, $0x1;
	s9 =	sor.u32 s10, s9;
	s6 =	sadd.s32 s6, s7  }
0x9: {  	s7 =	simm.s32 $0x2;
	s10 =	simm.s32 $0x1;
	s8 =	ssub.s32 s8, s30  }
0xa: {  	s31 =	sshrl.u32 s9, $0x3;
	s6 =	sadd.s32 $0x889400, s6;
	s9 =	simm.s32 $0x1000  }
0xb: {  	s4 =	sadd.s32 s5, s31;
	s5 =	smax.u32 s8, $0x1;
	s8 =	simm.s32 $0x80  }
.LBB2_1:
0xc: {  	[tilespmem:s2], [sflag:$0x2] =	stream.linear.gather [hbm4b:s4+s2], $0x1000, $0x38;
	[tilespmem:$0x5000] =	vst v63  }
0xd: {  	_ =	swait.ge [sflag:s7], $0x1000  }
0xe: {  	[sflag:s7] =	ssyncset.done $0x0  }
0xf: {  	s12 =	simm.s32 $0x0;
	[sflag:s7] =	ssyncadd.s32 $0xFFFFF000  }
0x10: {  	[tilespmem:s9], [sflag:$0x1] =	stream.indirect.gather [hbm4b:s3+s8], $0x80, s12, s8, $0xb8;
	[tilespmem:$0x5000] =	vst v63  }
0x11: {  	_ =	swait.ge [sflag:s10], $0x4000  }
0x12: {  	[sflag:s10] =	ssyncset.done $0x0  }
0x13: {  	[sflag:s10] =	ssyncadd.s32 $0xFFFFC000  }
0x14: {  	[hbm4b:s6+s2] =	stream.linear.scatter [tilespmem:s9], [sflag:$0x2], $0x4000, $0x38;
	[tilespmem:$0x5000] =	vst v63  }
0x15: {  	s13 =	simm.s32 $0x200;
	_ =	swait.ge [sflag:s7], $0x4000  }
0x16: {  	s14 =	simm.s32 $0x400;
	s12 =	sadd.s32 $0x800, s6;
	[sflag:s7] =	ssyncset.done $0x0  }
.LBB2_2:
0x17: {  	s15 =	sshra.s32 s13, $0x2  }
0x18: {  	[sflag:s7] =	ssyncadd.s32 $0xFFFFC000;
	s13 =	smov.u32 s14;
	s16 =	sadd.s32 $0x200, s14  }
0x19: {  	[tilespmem:s9], [sflag:$0x1] =	stream.indirect.gather [hbm4b:s3+s8], $0x80, s15, s8, $0xb8;
	[tilespmem:$0x5000] =	vst v63  }
0x1a: {  	p0 =	sne.s32 s14, $0x3E00;
	_ =	swait.ge [sflag:s10], $0x4000  }
.Ltmp0:
0x1b: {  	[sflag:s10] =	ssyncset.done $0x0;
	(pc) =	sbr.rel @p0 .LBB2_2-.Ltmp0, $4  }
0x1c: {  	[sflag:s10] =	ssyncadd.s32 $0xFFFFC000  }
0x1d: {  	[hbm4b:s12+s2] =	stream.linear.scatter [tilespmem:s9], [sflag:$0x2], $0x4000, $0x38;
	[tilespmem:$0x5000] =	vst v63  }
0x1e: {  	_ =	swait.ge [sflag:s7], $0x4000  }
0x1f: {  	s14 =	smov.u32 s16;
	s12 =	sadd.s32 $0x800, s12;
	[sflag:s7] =	ssyncset.done $0x0  }
0x20: {  	s13 =	sshra.s32 s13, $0x2;
	[sflag:s7] =	ssyncadd.s32 $0xFFFFC000  }
0x21: {  	[tilespmem:s9], [sflag:$0x1] =	stream.indirect.gather [hbm4b:s3+s8], $0x80, s13, s8, $0xb8;
	[tilespmem:$0x5000] =	vst v63  }
0x22: {  	s11 =	sadd.s32 $0x1, s11;
	_ =	swait.ge [sflag:s10], $0x4000  }
0x23: {  	p0 =	sne.s32 s11, s5;
	[sflag:s10] =	ssyncset.done $0x0  }
.Ltmp1:
0x24: {  	[sflag:s10] =	ssyncadd.s32 $0xFFFFC000;
	(pc) =	sbr.rel @p0 .LBB2_1-.Ltmp1, $4  }
0x25: {  	[hbm4b:s12+s2] =	stream.linear.scatter [tilespmem:s9], [sflag:$0x2], $0x4000, $0x38;
	[tilespmem:$0x5000] =	vst v63  }
0x26: {  	_ =	swait.ge [sflag:s7], $0x4000  }
0x27: {  	[sflag:s7] =	ssyncset.done $0x0  }
0x28: {  	[sflag:s7] =	ssyncadd.s32 $0xFFFFC000  }
0x29: {  	_ =	sfence.sel $0x180000  }
0x2a: {  	[bflag:$0x0] =	sbarrier.arrive $0xFFFF  }
0x2b: {  	p0 =	sne.s32 s1, $0x0;
	_ =	strace $0x90000053  }
0x2c: {  	s0 =	sadd.s32 @!p0 $0x100000, s0;
	[bflag:$0x2] =	sbarrier.arrive $0xFFFF  }
0x2d: {  	[sflag:s0] =	ssyncadd.tile.s32 @!p0 $0x1;
	_ =	shalt  }
.Lfunc_end2:
_tile_overlayer_lowered:
.L_overlay_start_2:
0x2e: {  	(tag) =	ssettag $0x2  }
0x2f: {  	s0 =	rddreg [dreg:$0x0];
	s2 =	stileid.u32  }
0x30: {  	s1 =	rddreg [dreg:$0x1];
	p0 =	sne.s32 s2, $0x0  }
0x31: {  	s3 =	rddreg [dreg:$0x2];
	[bflag:$0x3] =	sbarrier.arrive $0xFFFF;
	s2 =	simm.s32 @!p0 $0x1C02  }
0x32: {  	[timem:s3], [sflag:s2] =	dma.local @!p0 [hbm:s0], s1  }
0x33: {  	s0 =	simm.s32 @!p0 $0x2  }
0x34: {  	_ =	swait.ge @!p0 [sflag:s0], s1  }
0x35: {  	s1 =	ssub.s32 @!p0 $0x0, s1;
	[sflag:s0] =	ssyncset.done @!p0 $0x0  }
0x36: {  	[sflag:s0] =	ssyncadd.s32 @!p0 s1  }
0x37: {  	[bflag:$0x3] =	sbarrier.arrive $0xFFFF  }
0x38: {  	_ =	shalt  }

// kernel: kernel.34.cloned.1.call-start
scs
__scs_entry_jumppad:
0x0: {  	(pc) =	sbr.rel $0x88, $3  }
0x1: {  	(tag) =	ssettag $0x0;
	lr =	simm.s32 $0x1  }
0x2: {  	[smem:$0x3F92] =	sst lr;
	_ =	strace $0xD0000000  }
0x3: {  	_ = 	snop  }
0x4: {  	_ = 	snop  }
0x5: {  	_ = 	snop  }
0x6: {  	_ = 	snop  }
0x7: {  	_ = 	snop  }
__scs_overlays_trampoline_lowered:
0x8: {  	[smem:$0x3FA1] =	sst s0  }
0x9: {  	[smem:$0x3FA2] =	sst s1  }
0xa: {  	[smem:$0x3FA3] =	sst s2  }
0xb: {  	[smem:$0x3FA4] =	sst s3  }
0xc: {  	[smem:$0x3FA5] =	sst s4  }
0xd: {  	[smem:$0x3FA6] =	sst s5  }
0xe: {  	[smem:$0x3FA7] =	sst s6  }
0xf: {  	[smem:$0x3FA8] =	sst s7  }
0x10: {  	[smem:$0x3FA9] =	sst s8  }
0x11: {  	[smem:$0x3FAA] =	sst s9;
	s0 =	simm.s32 @!p0 $0x0  }
0x12: {  	s1 =	sld [smem:$0x3F90];
	s0 =	simm.s32 @p0 $0x1  }
0x13: {  	[smem:$0x3FAB] =	sst s0;
	s0 =	simm.s32 @!p1 $0x0  }
0x14: {  	s2 =	sld [smem:$0x3F8F];
	s0 =	simm.s32 @p1 $0x1  }
0x15: {  	[smem:$0x3FAC] =	sst s0;
	s0 =	simm.s32 @!p2 $0x0  }
0x16: {  	s3 =	sld [smem:$0x3FDB];
	s0 =	simm.s32 @p2 $0x1  }
0x17: {  	s4 =	simm.s32 $0x1BF5;
	[smem:$0x3FAE] =	sst s0  }
0x18: {  	s0 =	sld [smem:$0x3F91];
	_ =	swait.ge [sflag:s4], $0x0  }
0x19: {  	s7 =	sld [smem:$0x3F92]  }
0x1a: {  	s8 =	sadd.s32 $0xFFFFE003, lr  }
0x1b: {  	s9 =	sadd.s32 $0xFFFFFEF7, lr;
	s5 =	simm.s32 $0xFFFFFFFF;
	p2 =	slt.u32 s8, $0xFFFFF086  }
0x1c: {  	p1 =	slt.u32 s9, $0xF7A;
	s5 =	simm.s32 @!p2 $0x0  }
0x1d: {  	s5 =	simm.s32 @p1 $0x1;
	p0 =	seq.s32 s7, s2  }
0x1e: {  	s7 =	smul.u32 @!p0 $0xF7A, s2;
	p2 =	seq.s32 @!p0 s5, $0x0  }
0x1f: {  	s9 =	smul.u32 $0xF7A, s1;
	s8 =	simm.s32 @!p0 $0x1BF5;
	p2 =	por !p2, p0  }
0x20: {  	[sflag:s8] =	ssyncset.s32 @!p0 $0xFFFFF086;
	s6 =	sadd.s32 @!p0 s3, s7;
	s7 =	simm.s32 @!p0 $0x108  }
0x21: {  	s3 =	sadd.s32 s3, s9;
	s6 =	sadd.s32 @!p0 $0x88, s6;
	s7 =	simm.s32 @p2 $0x1082  }
0x22: {  	[simem:s7], [sflag:s8] =	dma.local @!p0 [hbm:s6], $0xF7A  }
0x23: {  	s9 =	sor.u32 $0xD0000000, s2;
	s6 =	simm.s32 $0x108;
	_ =	swait.ge @!p0 [sflag:s8], $0x0  }
0x24: {  	s3 =	sadd.s32 $0x88, s3;
	s6 =	simm.s32 @!p1 $0x1082;
	[sflag:s4] =	ssyncset.s32 $0xFFFFF086  }
0x25: {  	[simem:s6], [sflag:s4] =	dma.local [hbm:s3], $0xF7A  }
0x26: {  	[smem:$0x3F92] =	sst s1;
	(tag) =	ssettag s2;
	_ =	strace s9  }
0x27: {  	s1 =	sld [smem:$0x3FA2]  }
0x28: {  	s2 =	sld [smem:$0x3FA3]  }
0x29: {  	s4 =	sld [smem:$0x3FA5]  }
0x2a: {  	p0 =	seq.s32 s5, $0x0;
	s5 =	sld [smem:$0x3FA6]  }
0x2b: {  	s6 =	sld [smem:$0x3FA7]  }
0x2c: {  	s7 =	sld [smem:$0x3FA8]  }
0x2d: {  	s3 =	simm.s32 $0x108;
	s8 =	sld [smem:$0x3FA9]  }
0x2e: {  	s3 =	simm.s32 @!p0 $0x1082;
	s9 =	sld [smem:$0x3FAA]  }
0x2f: {  	lr =	sadd.s32 s0, s3;
	s0 =	sld [smem:$0x3FA1]  }
0x30: {  	s3 =	sld [smem:$0x3FA4]  }
0x31: {  	[smem:$0x3FAD] =	sst s10  }
0x32: {  	s10 =	sld [smem:$0x3FAB];
	_ =	sdelay $0x3  }
0x33: {  	p0 =	seq.s32 s10, $0x1;
	s10 =	sld [smem:$0x3FAD];
	_ =	sdelay $0x3  }
0x34: {  	[smem:$0x3FAD] =	sst s10  }
0x35: {  	s10 =	sld [smem:$0x3FAC];
	_ =	sdelay $0x3  }
0x36: {  	p1 =	seq.s32 s10, $0x1;
	s10 =	sld [smem:$0x3FAD];
	_ =	sdelay $0x3  }
0x37: {  	[smem:$0x3FAD] =	sst s10  }
0x38: {  	s10 =	sld [smem:$0x3FAE]  }
0x39: {  	_ = 	snop;
	(pc) =	sbr.ind lr, $3  }
0x3a: {  	_ = 	snop  }
0x3b: {  	_ = 	snop  }
0x3c: {  	p2 =	seq.s32 s10, $0x1;
	s10 =	sld [smem:$0x3FAD]  }
0x3d: {  	_ =	shalt  }
0x3e: {  	_ =	shalt  }
0x3f: {  	_ =	shalt  }
0x40: {  	_ =	shalt  }
0x41: {  	_ =	shalt  }
0x42: {  	_ =	shalt  }
0x43: {  	_ =	shalt  }
0x44: {  	_ =	shalt  }
0x45: {  	_ =	shalt  }
0x46: {  	_ =	shalt  }
0x47: {  	_ =	shalt  }
0x48: {  	_ =	shalt  }
0x49: {  	_ =	shalt  }
0x4a: {  	_ =	shalt  }
0x4b: {  	_ =	shalt  }
0x4c: {  	_ =	shalt  }
0x4d: {  	_ =	shalt  }
0x4e: {  	_ =	shalt  }
0x4f: {  	_ =	shalt  }
0x50: {  	_ =	shalt  }
0x51: {  	_ =	shalt  }
0x52: {  	_ =	shalt  }
0x53: {  	_ =	shalt  }
0x54: {  	_ =	shalt  }
0x55: {  	_ =	shalt  }
0x56: {  	_ =	shalt  }
0x57: {  	_ =	shalt  }
0x58: {  	_ =	shalt  }
0x59: {  	_ =	shalt  }
0x5a: {  	_ =	shalt  }
0x5b: {  	_ =	shalt  }
0x5c: {  	_ =	shalt  }
0x5d: {  	_ =	shalt  }
0x5e: {  	_ =	shalt  }
0x5f: {  	_ =	shalt  }
0x60: {  	_ =	shalt  }
0x61: {  	_ =	shalt  }
0x62: {  	_ =	shalt  }
0x63: {  	_ =	shalt  }
0x64: {  	_ =	shalt  }
0x65: {  	_ =	shalt  }
0x66: {  	_ =	shalt  }
0x67: {  	_ =	shalt  }
0x68: {  	_ =	shalt  }
0x69: {  	_ =	shalt  }
0x6a: {  	_ =	shalt  }
0x6b: {  	_ =	shalt  }
0x6c: {  	_ =	shalt  }
0x6d: {  	_ =	shalt  }
0x6e: {  	_ =	shalt  }
0x6f: {  	_ =	shalt  }
0x70: {  	_ =	shalt  }
0x71: {  	_ =	shalt  }
0x72: {  	_ =	shalt  }
0x73: {  	_ =	shalt  }
0x74: {  	_ =	shalt  }
0x75: {  	_ =	shalt  }
0x76: {  	_ =	shalt  }
0x77: {  	_ =	shalt  }
0x78: {  	_ =	shalt  }
0x79: {  	_ =	shalt  }
0x7a: {  	_ =	shalt  }
0x7b: {  	_ =	shalt  }
0x7c: {  	_ =	shalt  }
0x7d: {  	_ =	shalt  }
0x7e: {  	_ =	shalt  }
0x7f: {  	_ =	shalt  }
0x80: {  	_ =	shalt  }
0x81: {  	_ =	shalt  }
0x82: {  	_ =	shalt  }
0x83: {  	_ =	shalt  }
0x84: {  	_ =	shalt  }
0x85: {  	_ =	shalt  }
0x86: {  	_ =	shalt  }
0x87: {  	_ =	shalt  }
.Lfunc_end0:
.L_simem_size_0:
called_computation.2_lowered:
.L_overlay_start_0:
0x88: {  	s2 =	sld [smem:$0x3FD9]  }
0x89: {  	s3 =	sld [smem:$0x3FFE];
	_ =	sdelay $0x1  }
0x8a: {  	s1 =	srdreg.scid  }
0x8b: {  	s0 =	sand.u32 $0x1, s1  }
0x8c: {  	s17 =	sshll.u32 s0, $0xA;
	s2 =	sadd.s32 s3, s2  }
0x8d: {  	s2 =	sadd.s32 s2, s17  }
0x8e: {  	[smem:$0x3FB9] =	sst s2  }
0x8f: {  	_ = 	snop  }
0x90: {  	(tm) =	ssettm $0x1  }
0x91: {  	s18 =	sld [smem:$0x3FFB];
	_ =	sdelay $0x3  }
0x92: {  	_ =	strace s18  }
0x93: {  	s2 =	sld [smem:$0x3FFC];
	_ =	sdelay $0x3  }
0x94: {  	_ =	strace s2  }
0x95: {  	s2 =	sld [smem:$0x3FFD];
	_ =	sdelay $0x3  }
0x96: {  	_ =	strace s2  }
0x97: {  	_ =	strace $0x8FFFFFFF  }
0x98: {  	s19 =	sld [smem:$0x3FDB];
	_ =	sdelay $0x1  }
0x99: {  	s20 =	simm.s32 $_scs_section_size  }
0x9a: {  	s4 =	simm.s32 $_size__tile_overlayer_lowered;
	s5 =	simm.s32 $_tile_overlayer_lowered  }
0x9b: {  	s6 =	simm.s32 $0x1BFF;
	s21 =	sshll.u32 s5, $0x1;
	s3 =	sadd.s32 s20, s19  }
0x9c: {  	s22 =	simm.s32 $0x0;
	s4 =	sshll.u32 s4, $0x1;
	s5 =	sadd.s32 s21, s3  }
0x9d: {  	[timem:s22], [sflag:s6] =	dma.local [hbm:s5], s4  }
0x9e: {  	_ =	swait.ge [sflag:s6], s4  }
0x9f: {  	s4 =	ssub.s32 $0x0, s4;
	[sflag:s6] =	ssyncset.done $0x0  }
0xa0: {  	[sflag:s6] =	ssyncadd.s32 s4;
	_ =	sdelay $0x1  }
0xa1: {  	s23 =	simm.s32 $0x1B8B  }
0xa2: {  	_ =	swait.ge [sflag:s23], $0x1  }
0xa3: {  	[sflag:s23] =	ssyncset.done $0x0  }
0xa4: {  	[sflag:s23] =	ssyncadd.s32 $0xFFFFFFFF  }
0xa5: {  	s4 =	sld [smem:$0x0]  }
0xa6: {  	s5 =	sand.u32 $0xFFFFFFFE, s1  }
0xa7: {  	p0 =	sne.s32 s1, s5  }
0xa8: {  	s5 =	sshll.u32 @p0 s5, $0xE  }
0xa9: {  	s5 =	sadd.s32 @p0 $0x11B8D, s5;
	s6 =	sshll.u32 @p0 s4, $0x11  }
0xaa: {  	s5 =	sor.u32 @p0 s6, s5  }
0xab: {  	[sflag:s5] =	ssyncadd.remote.s32 @p0 $0x1;
	_ =	sdelay $0x1  }
0xac: {  	s5 =	simm.s32 @p0 $0x1B8D  }
0xad: {  	_ =	swait.eq @p0 [sflag:s5], $0x1  }
0xae: {  	[sflag:s5] =	ssyncadd.s32 @p0 $0xFFFFFFFF  }
0xaf: {  	s6 =	sshll.u32 @!p0 s1, $0xE  }
0xb0: {  	s6 =	sor.u32 @!p0 $0x4000, s6;
	s5 =	simm.s32 @!p0 $0x1B8D  }
0xb1: {  	s4 =	sshll.u32 @!p0 s4, $0x11;
	s6 =	sadd.s32 @!p0 $0x11B8D, s6;
	_ =	swait.eq @!p0 [sflag:s5], $0x1  }
0xb2: {  	s4 =	sor.u32 @!p0 s4, s6;
	[sflag:s5] =	ssyncadd.s32 @!p0 $0xFFFFFFFF  }
0xb3: {  	s25 =	simm.s32 $0x1B8E;
	s24 =	sld [smem:$0x3FFE];
	[sflag:s4] =	ssyncadd.remote.s32 @!p0 $0x1  }
0xb4: {  	s26 =	simm.s32 $execute0_lowered;
	[smem:$0x3FD2] =	sst s25  }
0xb5: {  	s5 =	sshll.u32 s26, $0x1;
	_ =	strace $0x8000004F;
	[dreg:$0x1] =	wrdreg $0xFFFFFFFF  }
0xb6: {  	s28 =	simm.s32 $_size_execute0_lowered;
	s3 =	sadd.s32 s3, s5;
	[dreg:$0x0] =	wrdreg $0x0  }
0xb7: {  	s5 =	sshll.u32 s28, $0x1;
	[dreg:$0x2] =	wrdreg s3  }
0xb8: {  	[dreg:$0x3] =	wrdreg s5  }
0xb9: {  	[dreg:$0x4] =	wrdreg $0xC0  }
0xba: {  	_ =	task [dreg:s22], $0x5FFFF  }
0xbb: {  	[dreg:$0x1] =	wrdreg $0xFFFFFFFF  }
0xbc: {  	[dreg:$0x0] =	wrdreg $0x60  }
0xbd: {  	[dreg:$0x2] =	wrdreg s24  }
0xbe: {  	[dreg:$0x3] =	wrdreg $0xA  }
0xbf: {  	_ =	task.clear_ibuf [dreg:s22], $0x4FFFF;
	_ =	strace $0x9000004F  }
0xc0: {  	s29 =	simm.s32 $0xA;
	_ =	strace $0x80000051  }
0xc1: {  	_ =	swait.ge [sflag:s29], $0x1  }
0xc2: {  	[sflag:s29] =	ssyncadd.s32 $0xFFFFFFFF  }
0xc3: {  	_ =	strace $0x90000051  }
0xc4: {  	_ =	sfence  }
0xc5: {  	s30 =	sld [smem:$0x0];
	_ =	sdelay $0x2  }
0xc6: {  	s31 =	sshll.u32 s1, $0xD;
	s1 =	sshrl.u32 s1, $0x2  }
0xc7: {  	s4 =	sand.u32 $0x4000, s31;
	s1 =	sadd.s32 s1, s30  }
0xc8: {  	s0 =	sor.u32 s4, s0;
	s1 =	sshll.u32 s1, $0x11  }
0xc9: {  	s0 =	sor.u32 s1, s0  }
0xca: {  	s0 =	sadd.s32 $0x8F2B, s0  }
0xcb: {  	[sflag:s0] =	ssyncadd.remote.s32 $0x1  }
0xcc: {  	_ =	sfence.sel $0xFFFF  }
0xcd: {  	[dreg:$0x0] =	wrdreg $0xFFFFFFFF;
	(pc) =	sbr.abs _section_cstart, $3  }
0xce: {  	[dreg:$0x1] =	wrdreg $0xFFFFFFFF  }
0xcf: {  	_ =	task.clear_ibuf [dreg:s22], $0x2FFFF;
	_ =	strace $0x9FFFFFFF  }
0xd0: {  	(tm) =	ssettm $0x7FFFFFFF  }
0xd1: {  	_ =	shalt  }
tec
execute0_lowered:
.L_overlay_start_1:
0x0: {  	(tag) =	ssettag $0x1  }
0x1: {  	s4 =	rddreg [dreg:$0x0]  }
0x2: {  	s0 =	rddreg [dreg:$0x1]  }
0x3: {  	s3 =	srdreg.scid;
	s2 =	simm.s32 $0x0;
	s1 =	stileid.u32  }
0x4: {  	s10 =	simm.s32 $0x1;
	s11 =	simm.s32 $0x0;
	s5 =	sand.u32 $0x1, s3  }
0x5: {  	[smem:$0x7FF] =	sst s2;
	s29 =	sshll.u32 s1, $0xD;
	s3 =	sadd.s32 $0x309200, s4  }
0x6: {  	s8 =	sshll.u32 s1, $0x11;
	s6 =	sshll.u32 s5, $0xC;
	_ =	strace $0x80000050  }
0x7: {  	s7 =	ssub.s32 $0x2, s5;
	s8 =	sadd.s32 s8, s4;
	s30 =	sshll.u32 s5, $0x10  }
0x8: {  	s6 =	sor.u32 s6, s29;
	s9 =	sshrl.u32 s7, $0x1;
	s31 =	sadd.s32 s30, s8  }
0x9: {  	s8 =	simm.s32 $0x80;
	s6 =	sshrl.u32 s6, $0x3;
	s7 =	ssub.s32 s7, s9  }
0xa: {  	s9 =	simm.s32 $0x1000;
	s6 =	sadd.s32 s6, s4;
	s5 =	smax.u32 s7, $0x1  }
0xb: {  	s7 =	simm.s32 $0x2;
	s4 =	sadd.s32 $0x409200, s6;
	s6 =	sadd.s32 $0x689400, s31  }
.LBB2_1:
0xc: {  	[tilespmem:s2], [sflag:$0x2] =	stream.linear.gather [hbm4b:s4+s2], $0x1000, $0x38;
	[tilespmem:$0x5000] =	vst v63  }
0xd: {  	_ =	swait.ge [sflag:s7], $0x1000  }
0xe: {  	[sflag:s7] =	ssyncset.done $0x0  }
0xf: {  	s12 =	simm.s32 $0x0;
	[sflag:s7] =	ssyncadd.s32 $0xFFFFF000  }
0x10: {  	[tilespmem:s9], [sflag:$0x1] =	stream.indirect.gather [hbm4b:s3+s8], $0x80, s12, s8, $0xb8;
	[tilespmem:$0x5000] =	vst v63  }
0x11: {  	_ =	swait.ge [sflag:s10], $0x4000  }
0x12: {  	[sflag:s10] =	ssyncset.done $0x0  }
0x13: {  	[sflag:s10] =	ssyncadd.s32 $0xFFFFC000  }
0x14: {  	[hbm4b:s6+s2] =	stream.linear.scatter [tilespmem:s9], [sflag:$0x2], $0x4000, $0x38;
	[tilespmem:$0x5000] =	vst v63  }
0x15: {  	s13 =	simm.s32 $0x200;
	_ =	swait.ge [sflag:s7], $0x4000  }
0x16: {  	s14 =	simm.s32 $0x400;
	s12 =	sadd.s32 $0x800, s6;
	[sflag:s7] =	ssyncset.done $0x0  }
.LBB2_2:
0x17: {  	s15 =	sshra.s32 s13, $0x2  }
0x18: {  	[sflag:s7] =	ssyncadd.s32 $0xFFFFC000;
	s13 =	smov.u32 s14;
	s16 =	sadd.s32 $0x200, s14  }
0x19: {  	[tilespmem:s9], [sflag:$0x1] =	stream.indirect.gather [hbm4b:s3+s8], $0x80, s15, s8, $0xb8;
	[tilespmem:$0x5000] =	vst v63  }
0x1a: {  	p0 =	sne.s32 s14, $0x3E00;
	_ =	swait.ge [sflag:s10], $0x4000  }
.Ltmp0:
0x1b: {  	[sflag:s10] =	ssyncset.done $0x0;
	(pc) =	sbr.rel @p0 .LBB2_2-.Ltmp0, $4  }
0x1c: {  	[sflag:s10] =	ssyncadd.s32 $0xFFFFC000  }
0x1d: {  	[hbm4b:s12+s2] =	stream.linear.scatter [tilespmem:s9], [sflag:$0x2], $0x4000, $0x38;
	[tilespmem:$0x5000] =	vst v63  }
0x1e: {  	_ =	swait.ge [sflag:s7], $0x4000  }
0x1f: {  	s14 =	smov.u32 s16;
	s12 =	sadd.s32 $0x800, s12;
	[sflag:s7] =	ssyncset.done $0x0  }
0x20: {  	s13 =	sshra.s32 s13, $0x2;
	[sflag:s7] =	ssyncadd.s32 $0xFFFFC000  }
0x21: {  	[tilespmem:s9], [sflag:$0x1] =	stream.indirect.gather [hbm4b:s3+s8], $0x80, s13, s8, $0xb8;
	[tilespmem:$0x5000] =	vst v63  }
0x22: {  	s11 =	sadd.s32 $0x1, s11;
	_ =	swait.ge [sflag:s10], $0x4000  }
0x23: {  	p0 =	sne.s32 s11, s5;
	[sflag:s10] =	ssyncset.done $0x0  }
.Ltmp1:
0x24: {  	[sflag:s10] =	ssyncadd.s32 $0xFFFFC000;
	(pc) =	sbr.rel @p0 .LBB2_1-.Ltmp1, $4  }
0x25: {  	[hbm4b:s12+s2] =	stream.linear.scatter [tilespmem:s9], [sflag:$0x2], $0x4000, $0x38;
	[tilespmem:$0x5000] =	vst v63  }
0x26: {  	_ =	swait.ge [sflag:s7], $0x4000  }
0x27: {  	[sflag:s7] =	ssyncset.done $0x0  }
0x28: {  	[sflag:s7] =	ssyncadd.s32 $0xFFFFC000  }
0x29: {  	_ =	sfence.sel $0x180000  }
0x2a: {  	[bflag:$0x0] =	sbarrier.arrive $0xFFFF  }
0x2b: {  	p0 =	sne.s32 s1, $0x0;
	_ =	strace $0x90000050  }
0x2c: {  	s0 =	sadd.s32 @!p0 $0x100000, s0;
	[bflag:$0x2] =	sbarrier.arrive $0xFFFF  }
0x2d: {  	[sflag:s0] =	ssyncadd.tile.s32 @!p0 $0x1;
	_ =	shalt  }
.Lfunc_end2:
_tile_overlayer_lowered:
.L_overlay_start_2:
0x2e: {  	(tag) =	ssettag $0x2  }
0x2f: {  	s0 =	rddreg [dreg:$0x0];
	s2 =	stileid.u32  }
0x30: {  	s1 =	rddreg [dreg:$0x1];
	p0 =	sne.s32 s2, $0x0  }
0x31: {  	s3 =	rddreg [dreg:$0x2];
	[bflag:$0x3] =	sbarrier.arrive $0xFFFF;
	s2 =	simm.s32 @!p0 $0x1C02  }
0x32: {  	[timem:s3], [sflag:s2] =	dma.local @!p0 [hbm:s0], s1  }
0x33: {  	s0 =	simm.s32 @!p0 $0x2  }
0x34: {  	_ =	swait.ge @!p0 [sflag:s0], s1  }
0x35: {  	s1 =	ssub.s32 @!p0 $0x0, s1;
	[sflag:s0] =	ssyncset.done @!p0 $0x0  }
0x36: {  	[sflag:s0] =	ssyncadd.s32 @!p0 s1  }
0x37: {  	[bflag:$0x3] =	sbarrier.arrive $0xFFFF  }
0x38: {  	_ =	shalt  }

// kernel: kernel.37.cloned.1.call-start
scs
__scs_entry_jumppad:
0x0: {  	(pc) =	sbr.rel $0x88, $3  }
0x1: {  	(tag) =	ssettag $0x0;
	lr =	simm.s32 $0x1  }
0x2: {  	[smem:$0x3F92] =	sst lr;
	_ =	strace $0xD0000000  }
0x3: {  	_ = 	snop  }
0x4: {  	_ = 	snop  }
0x5: {  	_ = 	snop  }
0x6: {  	_ = 	snop  }
0x7: {  	_ = 	snop  }
__scs_overlays_trampoline_lowered:
0x8: {  	[smem:$0x3FA1] =	sst s0  }
0x9: {  	[smem:$0x3FA2] =	sst s1  }
0xa: {  	[smem:$0x3FA3] =	sst s2  }
0xb: {  	[smem:$0x3FA4] =	sst s3  }
0xc: {  	[smem:$0x3FA5] =	sst s4  }
0xd: {  	[smem:$0x3FA6] =	sst s5  }
0xe: {  	[smem:$0x3FA7] =	sst s6  }
0xf: {  	[smem:$0x3FA8] =	sst s7  }
0x10: {  	[smem:$0x3FA9] =	sst s8  }
0x11: {  	[smem:$0x3FAA] =	sst s9;
	s0 =	simm.s32 @!p0 $0x0  }
0x12: {  	s1 =	sld [smem:$0x3F90];
	s0 =	simm.s32 @p0 $0x1  }
0x13: {  	[smem:$0x3FAB] =	sst s0;
	s0 =	simm.s32 @!p1 $0x0  }
0x14: {  	s2 =	sld [smem:$0x3F8F];
	s0 =	simm.s32 @p1 $0x1  }
0x15: {  	[smem:$0x3FAC] =	sst s0;
	s0 =	simm.s32 @!p2 $0x0  }
0x16: {  	s3 =	sld [smem:$0x3FDB];
	s0 =	simm.s32 @p2 $0x1  }
0x17: {  	s4 =	simm.s32 $0x1BF5;
	[smem:$0x3FAE] =	sst s0  }
0x18: {  	s0 =	sld [smem:$0x3F91];
	_ =	swait.ge [sflag:s4], $0x0  }
0x19: {  	s7 =	sld [smem:$0x3F92]  }
0x1a: {  	s8 =	sadd.s32 $0xFFFFE003, lr  }
0x1b: {  	s9 =	sadd.s32 $0xFFFFFEF7, lr;
	s5 =	simm.s32 $0xFFFFFFFF;
	p2 =	slt.u32 s8, $0xFFFFF086  }
0x1c: {  	p1 =	slt.u32 s9, $0xF7A;
	s5 =	simm.s32 @!p2 $0x0  }
0x1d: {  	s5 =	simm.s32 @p1 $0x1;
	p0 =	seq.s32 s7, s2  }
0x1e: {  	s7 =	smul.u32 @!p0 $0xF7A, s2;
	p2 =	seq.s32 @!p0 s5, $0x0  }
0x1f: {  	s9 =	smul.u32 $0xF7A, s1;
	s8 =	simm.s32 @!p0 $0x1BF5;
	p2 =	por !p2, p0  }
0x20: {  	[sflag:s8] =	ssyncset.s32 @!p0 $0xFFFFF086;
	s6 =	sadd.s32 @!p0 s3, s7;
	s7 =	simm.s32 @!p0 $0x108  }
0x21: {  	s3 =	sadd.s32 s3, s9;
	s6 =	sadd.s32 @!p0 $0x88, s6;
	s7 =	simm.s32 @p2 $0x1082  }
0x22: {  	[simem:s7], [sflag:s8] =	dma.local @!p0 [hbm:s6], $0xF7A  }
0x23: {  	s9 =	sor.u32 $0xD0000000, s2;
	s6 =	simm.s32 $0x108;
	_ =	swait.ge @!p0 [sflag:s8], $0x0  }
0x24: {  	s3 =	sadd.s32 $0x88, s3;
	s6 =	simm.s32 @!p1 $0x1082;
	[sflag:s4] =	ssyncset.s32 $0xFFFFF086  }
0x25: {  	[simem:s6], [sflag:s4] =	dma.local [hbm:s3], $0xF7A  }
0x26: {  	[smem:$0x3F92] =	sst s1;
	(tag) =	ssettag s2;
	_ =	strace s9  }
0x27: {  	s1 =	sld [smem:$0x3FA2]  }
0x28: {  	s2 =	sld [smem:$0x3FA3]  }
0x29: {  	s4 =	sld [smem:$0x3FA5]  }
0x2a: {  	p0 =	seq.s32 s5, $0x0;
	s5 =	sld [smem:$0x3FA6]  }
0x2b: {  	s6 =	sld [smem:$0x3FA7]  }
0x2c: {  	s7 =	sld [smem:$0x3FA8]  }
0x2d: {  	s3 =	simm.s32 $0x108;
	s8 =	sld [smem:$0x3FA9]  }
0x2e: {  	s3 =	simm.s32 @!p0 $0x1082;
	s9 =	sld [smem:$0x3FAA]  }
0x2f: {  	lr =	sadd.s32 s0, s3;
	s0 =	sld [smem:$0x3FA1]  }
0x30: {  	s3 =	sld [smem:$0x3FA4]  }
0x31: {  	[smem:$0x3FAD] =	sst s10  }
0x32: {  	s10 =	sld [smem:$0x3FAB];
	_ =	sdelay $0x3  }
0x33: {  	p0 =	seq.s32 s10, $0x1;
	s10 =	sld [smem:$0x3FAD];
	_ =	sdelay $0x3  }
0x34: {  	[smem:$0x3FAD] =	sst s10  }
0x35: {  	s10 =	sld [smem:$0x3FAC];
	_ =	sdelay $0x3  }
0x36: {  	p1 =	seq.s32 s10, $0x1;
	s10 =	sld [smem:$0x3FAD];
	_ =	sdelay $0x3  }
0x37: {  	[smem:$0x3FAD] =	sst s10  }
0x38: {  	s10 =	sld [smem:$0x3FAE]  }
0x39: {  	_ = 	snop;
	(pc) =	sbr.ind lr, $3  }
0x3a: {  	_ = 	snop  }
0x3b: {  	_ = 	snop  }
0x3c: {  	p2 =	seq.s32 s10, $0x1;
	s10 =	sld [smem:$0x3FAD]  }
0x3d: {  	_ =	shalt  }
0x3e: {  	_ =	shalt  }
0x3f: {  	_ =	shalt  }
0x40: {  	_ =	shalt  }
0x41: {  	_ =	shalt  }
0x42: {  	_ =	shalt  }
0x43: {  	_ =	shalt  }
0x44: {  	_ =	shalt  }
0x45: {  	_ =	shalt  }
0x46: {  	_ =	shalt  }
0x47: {  	_ =	shalt  }
0x48: {  	_ =	shalt  }
0x49: {  	_ =	shalt  }
0x4a: {  	_ =	shalt  }
0x4b: {  	_ =	shalt  }
0x4c: {  	_ =	shalt  }
0x4d: {  	_ =	shalt  }
0x4e: {  	_ =	shalt  }
0x4f: {  	_ =	shalt  }
0x50: {  	_ =	shalt  }
0x51: {  	_ =	shalt  }
0x52: {  	_ =	shalt  }
0x53: {  	_ =	shalt  }
0x54: {  	_ =	shalt  }
0x55: {  	_ =	shalt  }
0x56: {  	_ =	shalt  }
0x57: {  	_ =	shalt  }
0x58: {  	_ =	shalt  }
0x59: {  	_ =	shalt  }
0x5a: {  	_ =	shalt  }
0x5b: {  	_ =	shalt  }
0x5c: {  	_ =	shalt  }
0x5d: {  	_ =	shalt  }
0x5e: {  	_ =	shalt  }
0x5f: {  	_ =	shalt  }
0x60: {  	_ =	shalt  }
0x61: {  	_ =	shalt  }
0x62: {  	_ =	shalt  }
0x63: {  	_ =	shalt  }
0x64: {  	_ =	shalt  }
0x65: {  	_ =	shalt  }
0x66: {  	_ =	shalt  }
0x67: {  	_ =	shalt  }
0x68: {  	_ =	shalt  }
0x69: {  	_ =	shalt  }
0x6a: {  	_ =	shalt  }
0x6b: {  	_ =	shalt  }
0x6c: {  	_ =	shalt  }
0x6d: {  	_ =	shalt  }
0x6e: {  	_ =	shalt  }
0x6f: {  	_ =	shalt  }
0x70: {  	_ =	shalt  }
0x71: {  	_ =	shalt  }
0x72: {  	_ =	shalt  }
0x73: {  	_ =	shalt  }
0x74: {  	_ =	shalt  }
0x75: {  	_ =	shalt  }
0x76: {  	_ =	shalt  }
0x77: {  	_ =	shalt  }
0x78: {  	_ =	shalt  }
0x79: {  	_ =	shalt  }
0x7a: {  	_ =	shalt  }
0x7b: {  	_ =	shalt  }
0x7c: {  	_ =	shalt  }
0x7d: {  	_ =	shalt  }
0x7e: {  	_ =	shalt  }
0x7f: {  	_ =	shalt  }
0x80: {  	_ =	shalt  }
0x81: {  	_ =	shalt  }
0x82: {  	_ =	shalt  }
0x83: {  	_ =	shalt  }
0x84: {  	_ =	shalt  }
0x85: {  	_ =	shalt  }
0x86: {  	_ =	shalt  }
0x87: {  	_ =	shalt  }
.Lfunc_end0:
.L_simem_size_0:
called_computation.3_lowered:
.L_overlay_start_0:
0x88: {  	s2 =	sld [smem:$0x3FD9]  }
0x89: {  	s3 =	sld [smem:$0x3FFE];
	_ =	sdelay $0x1  }
0x8a: {  	s1 =	srdreg.scid  }
0x8b: {  	s0 =	sand.u32 $0x1, s1  }
0x8c: {  	s16 =	sshll.u32 s0, $0xA;
	s2 =	sadd.s32 s3, s2  }
0x8d: {  	s2 =	sadd.s32 s2, s16  }
0x8e: {  	[smem:$0x3FB9] =	sst s2  }
0x8f: {  	_ = 	snop  }
0x90: {  	(tm) =	ssettm $0x1  }
0x91: {  	s17 =	sld [smem:$0x3FFB];
	_ =	sdelay $0x3  }
0x92: {  	_ =	strace s17  }
0x93: {  	s2 =	sld [smem:$0x3FFC];
	_ =	sdelay $0x3  }
0x94: {  	_ =	strace s2  }
0x95: {  	s2 =	sld [smem:$0x3FFD];
	_ =	sdelay $0x3  }
0x96: {  	_ =	strace s2  }
0x97: {  	_ =	strace $0x8FFFFFFF  }
0x98: {  	s18 =	sld [smem:$0x3FDB];
	_ =	sdelay $0x1  }
0x99: {  	s19 =	simm.s32 $_scs_section_size  }
0x9a: {  	s4 =	simm.s32 $_size__tile_overlayer_lowered;
	s5 =	simm.s32 $_tile_overlayer_lowered  }
0x9b: {  	s22 =	simm.s32 $0x1BFF;
	s21 =	sshll.u32 s5, $0x1;
	s2 =	sadd.s32 s19, s18  }
0x9c: {  	s6 =	simm.s32 $0x0;
	s20 =	sshll.u32 s4, $0x1;
	s4 =	sadd.s32 s21, s2  }
0x9d: {  	[timem:s6], [sflag:s22] =	dma.local [hbm:s4], s20  }
0x9e: {  	_ =	swait.ge [sflag:s22], s20  }
0x9f: {  	s3 =	ssub.s32 $0x0, s20;
	[sflag:s22] =	ssyncset.done $0x0  }
0xa0: {  	[sflag:s22] =	ssyncadd.s32 s3;
	_ =	sdelay $0x1  }
0xa1: {  	s23 =	simm.s32 $0x1B8B  }
0xa2: {  	_ =	swait.ge [sflag:s23], $0x1  }
0xa3: {  	[sflag:s23] =	ssyncset.done $0x0  }
0xa4: {  	s25 =	simm.s32 $0x1B8E;
	s24 =	sld [smem:$0x3FFE];
	[sflag:s23] =	ssyncadd.s32 $0xFFFFFFFF  }
0xa5: {  	s26 =	simm.s32 $execute0_lowered;
	[smem:$0x3FD2] =	sst s25  }
0xa6: {  	s4 =	sshll.u32 s26, $0x1;
	_ =	strace $0x80000049;
	[dreg:$0x1] =	wrdreg $0xFFFFFFFF  }
0xa7: {  	s28 =	simm.s32 $_size_execute0_lowered;
	s2 =	sadd.s32 s2, s4;
	[dreg:$0x0] =	wrdreg $0x0  }
0xa8: {  	s4 =	sshll.u32 s28, $0x1;
	[dreg:$0x2] =	wrdreg s2  }
0xa9: {  	[dreg:$0x3] =	wrdreg s4  }
0xaa: {  	[dreg:$0x4] =	wrdreg $0xC0  }
0xab: {  	_ =	task [dreg:s6], $0x5FFFF  }
0xac: {  	[dreg:$0x1] =	wrdreg $0xFFFFFFFF  }
0xad: {  	[dreg:$0x0] =	wrdreg $0x60  }
0xae: {  	[dreg:$0x2] =	wrdreg s24  }
0xaf: {  	[dreg:$0x3] =	wrdreg $0xB  }
0xb0: {  	_ =	task.clear_ibuf [dreg:s6], $0x4FFFF;
	_ =	strace $0x90000049  }
0xb1: {  	s29 =	simm.s32 $0xB;
	_ =	strace $0x8000004B  }
0xb2: {  	_ =	swait.ge [sflag:s29], $0x1  }
0xb3: {  	[sflag:s29] =	ssyncadd.s32 $0xFFFFFFFF  }
0xb4: {  	_ =	strace $0x9000004B  }
0xb5: {  	_ =	sfence  }
0xb6: {  	s30 =	sld [smem:$0x0];
	_ =	sdelay $0x2  }
0xb7: {  	s31 =	sshll.u32 s1, $0xD;
	s1 =	sshrl.u32 s1, $0x2  }
0xb8: {  	s3 =	sand.u32 $0x4000, s31;
	s1 =	sadd.s32 s1, s30  }
0xb9: {  	s0 =	sor.u32 s3, s0;
	s1 =	sshll.u32 s1, $0x11  }
0xba: {  	s0 =	sor.u32 s1, s0  }
0xbb: {  	s0 =	sadd.s32 $0x8F2B, s0  }
0xbc: {  	[sflag:s0] =	ssyncadd.remote.s32 $0x1  }
0xbd: {  	_ =	sfence.sel $0xFFFF  }
0xbe: {  	[dreg:$0x0] =	wrdreg $0xFFFFFFFF;
	(pc) =	sbr.abs _section_cstart, $3  }
0xbf: {  	[dreg:$0x1] =	wrdreg $0xFFFFFFFF  }
0xc0: {  	_ =	task.clear_ibuf [dreg:s6], $0x2FFFF;
	_ =	strace $0x9FFFFFFF  }
0xc1: {  	(tm) =	ssettm $0x7FFFFFFF  }
tec
execute0_lowered:
.L_overlay_start_1:
0x0: {  	(tag) =	ssettag $0x1  }
0x1: {  	s4 =	rddreg [dreg:$0x0]  }
0x2: {  	s0 =	rddreg [dreg:$0x1]  }
0x3: {  	s3 =	srdreg.scid;
	s2 =	simm.s32 $0x0;
	s1 =	stileid.u32  }
0x4: {  	s10 =	simm.s32 $0x1;
	s11 =	simm.s32 $0x0;
	s5 =	sand.u32 $0x1, s3  }
0x5: {  	[smem:$0x7FF] =	sst s2;
	s29 =	sshll.u32 s1, $0xD;
	s3 =	sadd.s32 $0x309200, s4  }
0x6: {  	s8 =	sshll.u32 s1, $0x11;
	s6 =	sshll.u32 s5, $0xC;
	_ =	strace $0x8000004A  }
0x7: {  	s7 =	ssub.s32 $0x2, s5;
	s8 =	sadd.s32 s8, s4;
	s30 =	sshll.u32 s5, $0x10  }
0x8: {  	s6 =	sor.u32 s6, s29;
	s9 =	sshrl.u32 s7, $0x1;
	s31 =	sadd.s32 s30, s8  }
0x9: {  	s8 =	simm.s32 $0x80;
	s6 =	sshrl.u32 s6, $0x3;
	s7 =	ssub.s32 s7, s9  }
0xa: {  	s9 =	simm.s32 $0x1000;
	s6 =	sadd.s32 s6, s4;
	s5 =	smax.u32 s7, $0x1  }
0xb: {  	s7 =	simm.s32 $0x2;
	s4 =	sadd.s32 $0x69200, s6;
	s6 =	sadd.s32 $0x6D200, s31  }
.LBB2_1:
0xc: {  	[tilespmem:s2], [sflag:$0x2] =	stream.linear.gather [hbm4b:s4+s2], $0x1000, $0x38;
	[tilespmem:$0x5000] =	vst v63  }
0xd: {  	_ =	swait.ge [sflag:s7], $0x1000  }
0xe: {  	[sflag:s7] =	ssyncset.done $0x0  }
0xf: {  	s12 =	simm.s32 $0x0;
	[sflag:s7] =	ssyncadd.s32 $0xFFFFF000  }
0x10: {  	[tilespmem:s9], [sflag:$0x1] =	stream.indirect.gather [hbm4b:s3+s8], $0x80, s12, s8, $0xb8;
	[tilespmem:$0x5000] =	vst v63  }
0x11: {  	_ =	swait.ge [sflag:s10], $0x4000  }
0x12: {  	[sflag:s10] =	ssyncset.done $0x0  }
0x13: {  	[sflag:s10] =	ssyncadd.s32 $0xFFFFC000  }
0x14: {  	[hbm4b:s6+s2] =	stream.linear.scatter [tilespmem:s9], [sflag:$0x2], $0x4000, $0x38;
	[tilespmem:$0x5000] =	vst v63  }
0x15: {  	s13 =	simm.s32 $0x200;
	_ =	swait.ge [sflag:s7], $0x4000  }
0x16: {  	s14 =	simm.s32 $0x400;
	s12 =	sadd.s32 $0x800, s6;
	[sflag:s7] =	ssyncset.done $0x0  }
.LBB2_2:
0x17: {  	s15 =	sshra.s32 s13, $0x2  }
0x18: {  	[sflag:s7] =	ssyncadd.s32 $0xFFFFC000;
	s13 =	smov.u32 s14;
	s16 =	sadd.s32 $0x200, s14  }
0x19: {  	[tilespmem:s9], [sflag:$0x1] =	stream.indirect.gather [hbm4b:s3+s8], $0x80, s15, s8, $0xb8;
	[tilespmem:$0x5000] =	vst v63  }
0x1a: {  	p0 =	sne.s32 s14, $0x3E00;
	_ =	swait.ge [sflag:s10], $0x4000  }
.Ltmp0:
0x1b: {  	[sflag:s10] =	ssyncset.done $0x0;
	(pc) =	sbr.rel @p0 .LBB2_2-.Ltmp0, $4  }
0x1c: {  	[sflag:s10] =	ssyncadd.s32 $0xFFFFC000  }
0x1d: {  	[hbm4b:s12+s2] =	stream.linear.scatter [tilespmem:s9], [sflag:$0x2], $0x4000, $0x38;
	[tilespmem:$0x5000] =	vst v63  }
0x1e: {  	_ =	swait.ge [sflag:s7], $0x4000  }
0x1f: {  	s14 =	smov.u32 s16;
	s12 =	sadd.s32 $0x800, s12;
	[sflag:s7] =	ssyncset.done $0x0  }
0x20: {  	s13 =	sshra.s32 s13, $0x2;
	[sflag:s7] =	ssyncadd.s32 $0xFFFFC000  }
0x21: {  	[tilespmem:s9], [sflag:$0x1] =	stream.indirect.gather [hbm4b:s3+s8], $0x80, s13, s8, $0xb8;
	[tilespmem:$0x5000] =	vst v63  }
0x22: {  	s11 =	sadd.s32 $0x1, s11;
	_ =	swait.ge [sflag:s10], $0x4000  }
0x23: {  	p0 =	sne.s32 s11, s5;
	[sflag:s10] =	ssyncset.done $0x0  }
.Ltmp1:
0x24: {  	[sflag:s10] =	ssyncadd.s32 $0xFFFFC000;
	(pc) =	sbr.rel @p0 .LBB2_1-.Ltmp1, $4  }
0x25: {  	[hbm4b:s12+s2] =	stream.linear.scatter [tilespmem:s9], [sflag:$0x2], $0x4000, $0x38;
	[tilespmem:$0x5000] =	vst v63  }
0x26: {  	_ =	swait.ge [sflag:s7], $0x4000  }
0x27: {  	[sflag:s7] =	ssyncset.done $0x0  }
0x28: {  	[sflag:s7] =	ssyncadd.s32 $0xFFFFC000  }
0x29: {  	_ =	sfence.sel $0x180000  }
0x2a: {  	[bflag:$0x0] =	sbarrier.arrive $0xFFFF  }
0x2b: {  	p0 =	sne.s32 s1, $0x0;
	_ =	strace $0x9000004A  }
0x2c: {  	s0 =	sadd.s32 @!p0 $0x100000, s0;
	[bflag:$0x2] =	sbarrier.arrive $0xFFFF  }
0x2d: {  	[sflag:s0] =	ssyncadd.tile.s32 @!p0 $0x1;
	_ =	shalt  }
.Lfunc_end2:
_tile_overlayer_lowered:
.L_overlay_start_2:
0x2e: {  	(tag) =	ssettag $0x2  }
0x2f: {  	s0 =	rddreg [dreg:$0x0];
	s2 =	stileid.u32  }
0x30: {  	s1 =	rddreg [dreg:$0x1];
	p0 =	sne.s32 s2, $0x0  }
0x31: {  	s3 =	rddreg [dreg:$0x2];
	[bflag:$0x3] =	sbarrier.arrive $0xFFFF;
	s2 =	simm.s32 @!p0 $0x1C02  }
0x32: {  	[timem:s3], [sflag:s2] =	dma.local @!p0 [hbm:s0], s1  }
0x33: {  	s0 =	simm.s32 @!p0 $0x2  }
0x34: {  	_ =	swait.ge @!p0 [sflag:s0], s1  }
0x35: {  	s1 =	ssub.s32 @!p0 $0x0, s1;
	[sflag:s0] =	ssyncset.done @!p0 $0x0  }
0x36: {  	[sflag:s0] =	ssyncadd.s32 @!p0 s1  }
0x37: {  	[bflag:$0x3] =	sbarrier.arrive $0xFFFF  }
0x38: {  	_ =	shalt  }

// kernel: kernel.40.cloned.1.call-start
scs
__scs_entry_jumppad:
0x0: {  	(pc) =	sbr.rel $0x88, $3  }
0x1: {  	(tag) =	ssettag $0x0;
	lr =	simm.s32 $0x1  }
0x2: {  	[smem:$0x3F92] =	sst lr;
	_ =	strace $0xD0000000  }
0x3: {  	_ = 	snop  }
0x4: {  	_ = 	snop  }
0x5: {  	_ = 	snop  }
0x6: {  	_ = 	snop  }
0x7: {  	_ = 	snop  }
__scs_overlays_trampoline_lowered:
0x8: {  	[smem:$0x3FA1] =	sst s0  }
0x9: {  	[smem:$0x3FA2] =	sst s1  }
0xa: {  	[smem:$0x3FA3] =	sst s2  }
0xb: {  	[smem:$0x3FA4] =	sst s3  }
0xc: {  	[smem:$0x3FA5] =	sst s4  }
0xd: {  	[smem:$0x3FA6] =	sst s5  }
0xe: {  	[smem:$0x3FA7] =	sst s6  }
0xf: {  	[smem:$0x3FA8] =	sst s7  }
0x10: {  	[smem:$0x3FA9] =	sst s8  }
0x11: {  	[smem:$0x3FAA] =	sst s9;
	s0 =	simm.s32 @!p0 $0x0  }
0x12: {  	s1 =	sld [smem:$0x3F90];
	s0 =	simm.s32 @p0 $0x1  }
0x13: {  	[smem:$0x3FAB] =	sst s0;
	s0 =	simm.s32 @!p1 $0x0  }
0x14: {  	s2 =	sld [smem:$0x3F8F];
	s0 =	simm.s32 @p1 $0x1  }
0x15: {  	[smem:$0x3FAC] =	sst s0;
	s0 =	simm.s32 @!p2 $0x0  }
0x16: {  	s3 =	sld [smem:$0x3FDB];
	s0 =	simm.s32 @p2 $0x1  }
0x17: {  	s4 =	simm.s32 $0x1BF5;
	[smem:$0x3FAE] =	sst s0  }
0x18: {  	s0 =	sld [smem:$0x3F91];
	_ =	swait.ge [sflag:s4], $0x0  }
0x19: {  	s7 =	sld [smem:$0x3F92]  }
0x1a: {  	s8 =	sadd.s32 $0xFFFFE003, lr  }
0x1b: {  	s9 =	sadd.s32 $0xFFFFFEF7, lr;
	s5 =	simm.s32 $0xFFFFFFFF;
	p2 =	slt.u32 s8, $0xFFFFF086  }
0x1c: {  	p1 =	slt.u32 s9, $0xF7A;
	s5 =	simm.s32 @!p2 $0x0  }
0x1d: {  	s5 =	simm.s32 @p1 $0x1;
	p0 =	seq.s32 s7, s2  }
0x1e: {  	s7 =	smul.u32 @!p0 $0xF7A, s2;
	p2 =	seq.s32 @!p0 s5, $0x0  }
0x1f: {  	s9 =	smul.u32 $0xF7A, s1;
	s8 =	simm.s32 @!p0 $0x1BF5;
	p2 =	por !p2, p0  }
0x20: {  	[sflag:s8] =	ssyncset.s32 @!p0 $0xFFFFF086;
	s6 =	sadd.s32 @!p0 s3, s7;
	s7 =	simm.s32 @!p0 $0x108  }
0x21: {  	s3 =	sadd.s32 s3, s9;
	s6 =	sadd.s32 @!p0 $0x88, s6;
	s7 =	simm.s32 @p2 $0x1082  }
0x22: {  	[simem:s7], [sflag:s8] =	dma.local @!p0 [hbm:s6], $0xF7A  }
0x23: {  	s9 =	sor.u32 $0xD0000000, s2;
	s6 =	simm.s32 $0x108;
	_ =	swait.ge @!p0 [sflag:s8], $0x0  }
0x24: {  	s3 =	sadd.s32 $0x88, s3;
	s6 =	simm.s32 @!p1 $0x1082;
	[sflag:s4] =	ssyncset.s32 $0xFFFFF086  }
0x25: {  	[simem:s6], [sflag:s4] =	dma.local [hbm:s3], $0xF7A  }
0x26: {  	[smem:$0x3F92] =	sst s1;
	(tag) =	ssettag s2;
	_ =	strace s9  }
0x27: {  	s1 =	sld [smem:$0x3FA2]  }
0x28: {  	s2 =	sld [smem:$0x3FA3]  }
0x29: {  	s4 =	sld [smem:$0x3FA5]  }
0x2a: {  	p0 =	seq.s32 s5, $0x0;
	s5 =	sld [smem:$0x3FA6]  }
0x2b: {  	s6 =	sld [smem:$0x3FA7]  }
0x2c: {  	s7 =	sld [smem:$0x3FA8]  }
0x2d: {  	s3 =	simm.s32 $0x108;
	s8 =	sld [smem:$0x3FA9]  }
0x2e: {  	s3 =	simm.s32 @!p0 $0x1082;
	s9 =	sld [smem:$0x3FAA]  }
0x2f: {  	lr =	sadd.s32 s0, s3;
	s0 =	sld [smem:$0x3FA1]  }
0x30: {  	s3 =	sld [smem:$0x3FA4]  }
0x31: {  	[smem:$0x3FAD] =	sst s10  }
0x32: {  	s10 =	sld [smem:$0x3FAB];
	_ =	sdelay $0x3  }
0x33: {  	p0 =	seq.s32 s10, $0x1;
	s10 =	sld [smem:$0x3FAD];
	_ =	sdelay $0x3  }
0x34: {  	[smem:$0x3FAD] =	sst s10  }
0x35: {  	s10 =	sld [smem:$0x3FAC];
	_ =	sdelay $0x3  }
0x36: {  	p1 =	seq.s32 s10, $0x1;
	s10 =	sld [smem:$0x3FAD];
	_ =	sdelay $0x3  }
0x37: {  	[smem:$0x3FAD] =	sst s10  }
0x38: {  	s10 =	sld [smem:$0x3FAE]  }
0x39: {  	_ = 	snop;
	(pc) =	sbr.ind lr, $3  }
0x3a: {  	_ = 	snop  }
0x3b: {  	_ = 	snop  }
0x3c: {  	p2 =	seq.s32 s10, $0x1;
	s10 =	sld [smem:$0x3FAD]  }
0x3d: {  	_ =	shalt  }
0x3e: {  	_ =	shalt  }
0x3f: {  	_ =	shalt  }
0x40: {  	_ =	shalt  }
0x41: {  	_ =	shalt  }
0x42: {  	_ =	shalt  }
0x43: {  	_ =	shalt  }
0x44: {  	_ =	shalt  }
0x45: {  	_ =	shalt  }
0x46: {  	_ =	shalt  }
0x47: {  	_ =	shalt  }
0x48: {  	_ =	shalt  }
0x49: {  	_ =	shalt  }
0x4a: {  	_ =	shalt  }
0x4b: {  	_ =	shalt  }
0x4c: {  	_ =	shalt  }
0x4d: {  	_ =	shalt  }
0x4e: {  	_ =	shalt  }
0x4f: {  	_ =	shalt  }
0x50: {  	_ =	shalt  }
0x51: {  	_ =	shalt  }
0x52: {  	_ =	shalt  }
0x53: {  	_ =	shalt  }
0x54: {  	_ =	shalt  }
0x55: {  	_ =	shalt  }
0x56: {  	_ =	shalt  }
0x57: {  	_ =	shalt  }
0x58: {  	_ =	shalt  }
0x59: {  	_ =	shalt  }
0x5a: {  	_ =	shalt  }
0x5b: {  	_ =	shalt  }
0x5c: {  	_ =	shalt  }
0x5d: {  	_ =	shalt  }
0x5e: {  	_ =	shalt  }
0x5f: {  	_ =	shalt  }
0x60: {  	_ =	shalt  }
0x61: {  	_ =	shalt  }
0x62: {  	_ =	shalt  }
0x63: {  	_ =	shalt  }
0x64: {  	_ =	shalt  }
0x65: {  	_ =	shalt  }
0x66: {  	_ =	shalt  }
0x67: {  	_ =	shalt  }
0x68: {  	_ =	shalt  }
0x69: {  	_ =	shalt  }
0x6a: {  	_ =	shalt  }
0x6b: {  	_ =	shalt  }
0x6c: {  	_ =	shalt  }
0x6d: {  	_ =	shalt  }
0x6e: {  	_ =	shalt  }
0x6f: {  	_ =	shalt  }
0x70: {  	_ =	shalt  }
0x71: {  	_ =	shalt  }
0x72: {  	_ =	shalt  }
0x73: {  	_ =	shalt  }
0x74: {  	_ =	shalt  }
0x75: {  	_ =	shalt  }
0x76: {  	_ =	shalt  }
0x77: {  	_ =	shalt  }
0x78: {  	_ =	shalt  }
0x79: {  	_ =	shalt  }
0x7a: {  	_ =	shalt  }
0x7b: {  	_ =	shalt  }
0x7c: {  	_ =	shalt  }
0x7d: {  	_ =	shalt  }
0x7e: {  	_ =	shalt  }
0x7f: {  	_ =	shalt  }
0x80: {  	_ =	shalt  }
0x81: {  	_ =	shalt  }
0x82: {  	_ =	shalt  }
0x83: {  	_ =	shalt  }
0x84: {  	_ =	shalt  }
0x85: {  	_ =	shalt  }
0x86: {  	_ =	shalt  }
0x87: {  	_ =	shalt  }
.Lfunc_end0:
.L_simem_size_0:
called_computation.4_lowered:
.L_overlay_start_0:
0x88: {  	s2 =	sld [smem:$0x3FD9]  }
0x89: {  	s3 =	sld [smem:$0x3FFE];
	_ =	sdelay $0x1  }
0x8a: {  	s1 =	srdreg.scid  }
0x8b: {  	s0 =	sand.u32 $0x1, s1  }
0x8c: {  	s17 =	sshll.u32 s0, $0xA;
	s2 =	sadd.s32 s3, s2  }
0x8d: {  	s2 =	sadd.s32 s2, s17  }
0x8e: {  	[smem:$0x3FB9] =	sst s2  }
0x8f: {  	_ = 	snop  }
0x90: {  	(tm) =	ssettm $0x1  }
0x91: {  	s18 =	sld [smem:$0x3FFB];
	_ =	sdelay $0x3  }
0x92: {  	_ =	strace s18  }
0x93: {  	s2 =	sld [smem:$0x3FFC];
	_ =	sdelay $0x3  }
0x94: {  	_ =	strace s2  }
0x95: {  	s2 =	sld [smem:$0x3FFD];
	_ =	sdelay $0x3  }
0x96: {  	_ =	strace s2  }
0x97: {  	_ =	strace $0x8FFFFFFF  }
0x98: {  	s19 =	sld [smem:$0x3FDB];
	_ =	sdelay $0x1  }
0x99: {  	s20 =	simm.s32 $_scs_section_size  }
0x9a: {  	s4 =	simm.s32 $_size__tile_overlayer_lowered;
	s5 =	simm.s32 $_tile_overlayer_lowered  }
0x9b: {  	s6 =	simm.s32 $0x1BFF;
	s21 =	sshll.u32 s5, $0x1;
	s3 =	sadd.s32 s20, s19  }
0x9c: {  	s22 =	simm.s32 $0x0;
	s4 =	sshll.u32 s4, $0x1;
	s5 =	sadd.s32 s21, s3  }
0x9d: {  	[timem:s22], [sflag:s6] =	dma.local [hbm:s5], s4  }
0x9e: {  	_ =	swait.ge [sflag:s6], s4  }
0x9f: {  	s4 =	ssub.s32 $0x0, s4;
	[sflag:s6] =	ssyncset.done $0x0  }
0xa0: {  	[sflag:s6] =	ssyncadd.s32 s4;
	_ =	sdelay $0x1  }
0xa1: {  	s23 =	simm.s32 $0x1B8B  }
0xa2: {  	_ =	swait.ge [sflag:s23], $0x1  }
0xa3: {  	[sflag:s23] =	ssyncset.done $0x0  }
0xa4: {  	[sflag:s23] =	ssyncadd.s32 $0xFFFFFFFF  }
0xa5: {  	s4 =	sld [smem:$0x0]  }
0xa6: {  	s5 =	sand.u32 $0xFFFFFFFE, s1  }
0xa7: {  	p0 =	sne.s32 s1, s5  }
0xa8: {  	s5 =	sshll.u32 @p0 s5, $0xE  }
0xa9: {  	s5 =	sadd.s32 @p0 $0x11B8D, s5;
	s6 =	sshll.u32 @p0 s4, $0x11  }
0xaa: {  	s5 =	sor.u32 @p0 s6, s5  }
0xab: {  	[sflag:s5] =	ssyncadd.remote.s32 @p0 $0x1;
	_ =	sdelay $0x1  }
0xac: {  	s5 =	simm.s32 @p0 $0x1B8D  }
0xad: {  	_ =	swait.eq @p0 [sflag:s5], $0x1  }
0xae: {  	[sflag:s5] =	ssyncadd.s32 @p0 $0xFFFFFFFF  }
0xaf: {  	s6 =	sshll.u32 @!p0 s1, $0xE  }
0xb0: {  	s6 =	sor.u32 @!p0 $0x4000, s6;
	s5 =	simm.s32 @!p0 $0x1B8D  }
0xb1: {  	s4 =	sshll.u32 @!p0 s4, $0x11;
	s6 =	sadd.s32 @!p0 $0x11B8D, s6;
	_ =	swait.eq @!p0 [sflag:s5], $0x1  }
0xb2: {  	s4 =	sor.u32 @!p0 s4, s6;
	[sflag:s5] =	ssyncadd.s32 @!p0 $0xFFFFFFFF  }
0xb3: {  	s25 =	simm.s32 $0x1B8E;
	s24 =	sld [smem:$0x3FFE];
	[sflag:s4] =	ssyncadd.remote.s32 @!p0 $0x1  }
0xb4: {  	s26 =	simm.s32 $execute0_lowered;
	[smem:$0x3FD2] =	sst s25  }
0xb5: {  	s5 =	sshll.u32 s26, $0x1;
	_ =	strace $0x8000004C;
	[dreg:$0x1] =	wrdreg $0xFFFFFFFF  }
0xb6: {  	s28 =	simm.s32 $_size_execute0_lowered;
	s3 =	sadd.s32 s3, s5;
	[dreg:$0x0] =	wrdreg $0x0  }
0xb7: {  	s5 =	sshll.u32 s28, $0x1;
	[dreg:$0x2] =	wrdreg s3  }
0xb8: {  	[dreg:$0x3] =	wrdreg s5  }
0xb9: {  	[dreg:$0x4] =	wrdreg $0xC0  }
0xba: {  	_ =	task [dreg:s22], $0x5FFFF  }
0xbb: {  	[dreg:$0x1] =	wrdreg $0xFFFFFFFF  }
0xbc: {  	[dreg:$0x0] =	wrdreg $0x60  }
0xbd: {  	[dreg:$0x2] =	wrdreg s24  }
0xbe: {  	[dreg:$0x3] =	wrdreg $0xC  }
0xbf: {  	_ =	task.clear_ibuf [dreg:s22], $0x4FFFF;
	_ =	strace $0x9000004C  }
0xc0: {  	s29 =	simm.s32 $0xC;
	_ =	strace $0x8000004E  }
0xc1: {  	_ =	swait.ge [sflag:s29], $0x1  }
0xc2: {  	[sflag:s29] =	ssyncadd.s32 $0xFFFFFFFF  }
0xc3: {  	_ =	strace $0x9000004E  }
0xc4: {  	_ =	sfence  }
0xc5: {  	s30 =	sld [smem:$0x0];
	_ =	sdelay $0x2  }
0xc6: {  	s31 =	sshll.u32 s1, $0xD;
	s1 =	sshrl.u32 s1, $0x2  }
0xc7: {  	s4 =	sand.u32 $0x4000, s31;
	s1 =	sadd.s32 s1, s30  }
0xc8: {  	s0 =	sor.u32 s4, s0;
	s1 =	sshll.u32 s1, $0x11  }
0xc9: {  	s0 =	sor.u32 s1, s0  }
0xca: {  	s0 =	sadd.s32 $0x8F2B, s0  }
0xcb: {  	[sflag:s0] =	ssyncadd.remote.s32 $0x1  }
0xcc: {  	_ =	sfence.sel $0xFFFF  }
0xcd: {  	[dreg:$0x0] =	wrdreg $0xFFFFFFFF;
	(pc) =	sbr.abs _section_cstart, $3  }
0xce: {  	[dreg:$0x1] =	wrdreg $0xFFFFFFFF  }
0xcf: {  	_ =	task.clear_ibuf [dreg:s22], $0x2FFFF;
	_ =	strace $0x9FFFFFFF  }
0xd0: {  	(tm) =	ssettm $0x7FFFFFFF  }
0xd1: {  	_ =	shalt  }
tec
execute0_lowered:
.L_overlay_start_1:
0x0: {  	(tag) =	ssettag $0x1  }
0x1: {  	s4 =	rddreg [dreg:$0x0]  }
0x2: {  	s0 =	rddreg [dreg:$0x1]  }
0x3: {  	s3 =	srdreg.scid;
	s2 =	simm.s32 $0x0;
	s1 =	stileid.u32  }
0x4: {  	s10 =	simm.s32 $0x1;
	s11 =	simm.s32 $0x0;
	s5 =	sand.u32 $0x1, s3  }
0x5: {  	[smem:$0x7FF] =	sst s2;
	s29 =	sshll.u32 s1, $0xD;
	s3 =	sadd.s32 $0x309200, s4  }
0x6: {  	s8 =	sshll.u32 s1, $0x11;
	s6 =	sshll.u32 s5, $0xC;
	_ =	strace $0x8000004D  }
0x7: {  	s7 =	ssub.s32 $0x2, s5;
	s8 =	sadd.s32 s8, s4;
	s30 =	sshll.u32 s5, $0x10  }
0x8: {  	s6 =	sor.u32 s6, s29;
	s9 =	sshrl.u32 s7, $0x1;
	s31 =	sadd.s32 s30, s8  }
0x9: {  	s8 =	simm.s32 $0x80;
	s6 =	sshrl.u32 s6, $0x3;
	s7 =	ssub.s32 s7, s9  }
0xa: {  	s9 =	simm.s32 $0x1000;
	s6 =	sadd.s32 s6, s4;
	s5 =	smax.u32 s7, $0x1  }
0xb: {  	s7 =	simm.s32 $0x2;
	s4 =	sadd.s32 $0x26D200, s6;
	s6 =	sadd.s32 $0x489400, s31  }
.LBB2_1:
0xc: {  	[tilespmem:s2], [sflag:$0x2] =	stream.linear.gather [hbm4b:s4+s2], $0x1000, $0x38;
	[tilespmem:$0x5000] =	vst v63  }
0xd: {  	_ =	swait.ge [sflag:s7], $0x1000  }
0xe: {  	[sflag:s7] =	ssyncset.done $0x0  }
0xf: {  	s12 =	simm.s32 $0x0;
	[sflag:s7] =	ssyncadd.s32 $0xFFFFF000  }
0x10: {  	[tilespmem:s9], [sflag:$0x1] =	stream.indirect.gather [hbm4b:s3+s8], $0x80, s12, s8, $0xb8;
	[tilespmem:$0x5000] =	vst v63  }
0x11: {  	_ =	swait.ge [sflag:s10], $0x4000  }
0x12: {  	[sflag:s10] =	ssyncset.done $0x0  }
0x13: {  	[sflag:s10] =	ssyncadd.s32 $0xFFFFC000  }
0x14: {  	[hbm4b:s6+s2] =	stream.linear.scatter [tilespmem:s9], [sflag:$0x2], $0x4000, $0x38;
	[tilespmem:$0x5000] =	vst v63  }
0x15: {  	s13 =	simm.s32 $0x200;
	_ =	swait.ge [sflag:s7], $0x4000  }
0x16: {  	s14 =	simm.s32 $0x400;
	s12 =	sadd.s32 $0x800, s6;
	[sflag:s7] =	ssyncset.done $0x0  }
.LBB2_2:
0x17: {  	s15 =	sshra.s32 s13, $0x2  }
0x18: {  	[sflag:s7] =	ssyncadd.s32 $0xFFFFC000;
	s13 =	smov.u32 s14;
	s16 =	sadd.s32 $0x200, s14  }
0x19: {  	[tilespmem:s9], [sflag:$0x1] =	stream.indirect.gather [hbm4b:s3+s8], $0x80, s15, s8, $0xb8;
	[tilespmem:$0x5000] =	vst v63  }
0x1a: {  	p0 =	sne.s32 s14, $0x3E00;
	_ =	swait.ge [sflag:s10], $0x4000  }
.Ltmp0:
0x1b: {  	[sflag:s10] =	ssyncset.done $0x0;
	(pc) =	sbr.rel @p0 .LBB2_2-.Ltmp0, $4  }
0x1c: {  	[sflag:s10] =	ssyncadd.s32 $0xFFFFC000  }
0x1d: {  	[hbm4b:s12+s2] =	stream.linear.scatter [tilespmem:s9], [sflag:$0x2], $0x4000, $0x38;
	[tilespmem:$0x5000] =	vst v63  }
0x1e: {  	_ =	swait.ge [sflag:s7], $0x4000  }
0x1f: {  	s14 =	smov.u32 s16;
	s12 =	sadd.s32 $0x800, s12;
	[sflag:s7] =	ssyncset.done $0x0  }
0x20: {  	s13 =	sshra.s32 s13, $0x2;
	[sflag:s7] =	ssyncadd.s32 $0xFFFFC000  }
0x21: {  	[tilespmem:s9], [sflag:$0x1] =	stream.indirect.gather [hbm4b:s3+s8], $0x80, s13, s8, $0xb8;
	[tilespmem:$0x5000] =	vst v63  }
0x22: {  	s11 =	sadd.s32 $0x1, s11;
	_ =	swait.ge [sflag:s10], $0x4000  }
0x23: {  	p0 =	sne.s32 s11, s5;
	[sflag:s10] =	ssyncset.done $0x0  }
.Ltmp1:
0x24: {  	[sflag:s10] =	ssyncadd.s32 $0xFFFFC000;
	(pc) =	sbr.rel @p0 .LBB2_1-.Ltmp1, $4  }
0x25: {  	[hbm4b:s12+s2] =	stream.linear.scatter [tilespmem:s9], [sflag:$0x2], $0x4000, $0x38;
	[tilespmem:$0x5000] =	vst v63  }
0x26: {  	_ =	swait.ge [sflag:s7], $0x4000  }
0x27: {  	[sflag:s7] =	ssyncset.done $0x0  }
0x28: {  	[sflag:s7] =	ssyncadd.s32 $0xFFFFC000  }
0x29: {  	_ =	sfence.sel $0x180000  }
0x2a: {  	[bflag:$0x0] =	sbarrier.arrive $0xFFFF  }
0x2b: {  	p0 =	sne.s32 s1, $0x0;
	_ =	strace $0x9000004D  }
0x2c: {  	s0 =	sadd.s32 @!p0 $0x100000, s0;
	[bflag:$0x2] =	sbarrier.arrive $0xFFFF  }
0x2d: {  	[sflag:s0] =	ssyncadd.tile.s32 @!p0 $0x1;
	_ =	shalt  }
.Lfunc_end2:
_tile_overlayer_lowered:
.L_overlay_start_2:
0x2e: {  	(tag) =	ssettag $0x2  }
0x2f: {  	s0 =	rddreg [dreg:$0x0];
	s2 =	stileid.u32  }
0x30: {  	s1 =	rddreg [dreg:$0x1];
	p0 =	sne.s32 s2, $0x0  }
0x31: {  	s3 =	rddreg [dreg:$0x2];
	[bflag:$0x3] =	sbarrier.arrive $0xFFFF;
	s2 =	simm.s32 @!p0 $0x1C02  }
0x32: {  	[timem:s3], [sflag:s2] =	dma.local @!p0 [hbm:s0], s1  }
0x33: {  	s0 =	simm.s32 @!p0 $0x2  }
0x34: {  	_ =	swait.ge @!p0 [sflag:s0], s1  }
0x35: {  	s1 =	ssub.s32 @!p0 $0x0, s1;
	[sflag:s0] =	ssyncset.done @!p0 $0x0  }
0x36: {  	[sflag:s0] =	ssyncadd.s32 @!p0 s1  }
0x37: {  	[bflag:$0x3] =	sbarrier.arrive $0xFFFF  }
0x38: {  	_ =	shalt  }

</sc_bundles>
